<compile_context>
chip_gen: v7x
topology: tpu7x:2x2x1
jax: 0.10.2.dev20260603
libtpu: 0.0.44.dev20260713+nightly
codegen_flags: <defaults>
</compile_context>

<pallas_src>
import functools

import jax
import jax.numpy as jnp
from jax import lax
from jax.experimental import pallas as pl
from jax.experimental.pallas import tpu as pltpu
from jax.experimental.pallas import tpu_sc as plsc

NC = 2
NS = 16
NW = NC * NS
LANES = 16
CHUNK = 128
GROUP = 8

_MESH = plsc.VectorSubcoreMesh(core_axis_name="c", subcore_axis_name="s")
_SC_PARAMS = pltpu.CompilerParams(use_tc_tiling_on_sc=False)


def _make_deg_kernel(acc_rows, cpt):
    strip = acc_rows // NS

    @functools.partial(
        pl.kernel,
        out_type=jax.ShapeDtypeStruct((NC, acc_rows, LANES), jnp.float32),
        mesh=_MESH,
        compiler_params=_SC_PARAMS,
        scratch_types=[
            pltpu.VMEM((cpt, CHUNK), jnp.int32),
            pltpu.VMEM((CHUNK, LANES), jnp.float32),
            pltpu.VMEM_SHARED((acc_rows, LANES), jnp.float32),
        ],
    )
    def deg_kernel(dst_hbm, ones_hbm, zeros_hbm, out_hbm, didx_v, ones_v, acc_sh):
        cid = lax.axis_index("c")
        sid = lax.axis_index("s")
        wid = sid * NC + cid
        pltpu.sync_copy(dst_hbm.at[wid], didx_v)
        pltpu.sync_copy(ones_hbm, ones_v)
        pltpu.sync_copy(zeros_hbm, acc_sh.at[pl.ds(sid * strip, strip)])
        plsc.subcore_barrier()

        @pl.loop(0, cpt)
        def _(j):
            pltpu.sync_copy(ones_v, acc_sh.at[didx_v.at[j]], add=True)

        plsc.subcore_barrier()
        pltpu.sync_copy(
            acc_sh.at[pl.ds(sid * strip, strip)],
            out_hbm.at[cid, pl.ds(sid * strip, strip)],
        )

    return deg_kernel


def _make_agg_kernel(acc_rows, cpt, width, n_nodes):
    strip = acc_rows // NS
    hp_strip = 8 * (-(-n_nodes // (NS * 8)))
    hp_tail_off = (NS - 1) * hp_strip
    hp_tail = n_nodes - hp_tail_off

    @functools.partial(
        pl.kernel,
        out_type=jax.ShapeDtypeStruct((NC, acc_rows, width), jnp.float32),
        mesh=_MESH,
        compiler_params=_SC_PARAMS,
        scratch_types=[
            pltpu.VMEM((cpt, CHUNK), jnp.int32),
            pltpu.VMEM((cpt, CHUNK), jnp.int32),
            pltpu.VMEM((CHUNK, width), jnp.float32),
            pltpu.VMEM_SHARED((n_nodes, width), jnp.float32),
            pltpu.VMEM_SHARED((acc_rows, width), jnp.float32),
        ],
    )
    def agg_kernel(src_hbm, dst_hbm, hp_hbm, zeros_hbm, out_hbm,
                   sidx_v, didx_v, rows_v, hp_sh, acc_sh):
        cid = lax.axis_index("c")
        sid = lax.axis_index("s")
        wid = sid * NC + cid
        pltpu.sync_copy(src_hbm.at[wid], sidx_v)
        pltpu.sync_copy(dst_hbm.at[wid], didx_v)
        pltpu.sync_copy(zeros_hbm, acc_sh.at[pl.ds(sid * strip, strip)])
        @pl.when(sid < NS - 1)
        def _():
            pltpu.sync_copy(hp_hbm.at[pl.ds(sid * hp_strip, hp_strip)],
                            hp_sh.at[pl.ds(sid * hp_strip, hp_strip)])

        @pl.when(sid == NS - 1)
        def _():
            pltpu.sync_copy(hp_hbm.at[pl.ds(hp_tail_off, hp_tail)],
                            hp_sh.at[pl.ds(hp_tail_off, hp_tail)])

        plsc.subcore_barrier()

        @pl.loop(0, cpt)
        def _(j):
            pltpu.sync_copy(hp_sh.at[sidx_v.at[j]], rows_v)
            pltpu.sync_copy(rows_v, acc_sh.at[didx_v.at[j]], add=True)

        plsc.subcore_barrier()
        pltpu.sync_copy(
            acc_sh.at[pl.ds(sid * strip, strip)],
            out_hbm.at[cid, pl.ds(sid * strip, strip)],
        )

    return agg_kernel


def _mm_body(x_ref, w_ref, o_ref):
    o_ref[...] = jnp.dot(x_ref[...], w_ref[...],
                         preferred_element_type=jnp.float32)


def _make_prep_body(n_nodes, hid):
    def prep_body(dp_ref, h1_ref, hp_ref, cc_ref):
        deg = 1.0 + dp_ref[0] + dp_ref[1]
        c16 = lax.rsqrt(deg)
        cc = jnp.broadcast_to(c16[:n_nodes, 0:1], (n_nodes, hid))
        cc_ref[...] = cc
        hp_ref[...] = h1_ref[...] * cc

    return prep_body


def _make_post_body(n_nodes):
    def post_body(agg_ref, cc_ref, h_ref, b_ref, w_ref, h2_ref, hp2_ref):
        s = agg_ref[0][:n_nodes] + agg_ref[1][:n_nodes]
        cc = cc_ref[...]
        h = h_ref[...]
        act = jnp.maximum(cc * s + cc * cc * h + b_ref[...], 0.0)
        nxt = jnp.dot(act, w_ref[...], preferred_element_type=jnp.float32)
        h2_ref[...] = nxt
        hp2_ref[...] = nxt * cc

    return post_body


def _make_post_final_body(n_nodes):
    def post_final_body(agg_ref, cc_ref, h_ref, b_ref, w_ref, b3_ref, o_ref):
        s = agg_ref[0][:n_nodes] + agg_ref[1][:n_nodes]
        cc = cc_ref[...]
        h = h_ref[...]
        act = jnp.maximum(cc * s + cc * cc * h + b_ref[...], 0.0)
        o_ref[...] = jnp.dot(act, w_ref[...],
                             preferred_element_type=jnp.float32) + b3_ref[...]

    return post_final_body


def kernel(x, edge_index, W1, b1, W2, b2, W3, b3):
    n_nodes, in_dim = x.shape
    hid = W1.shape[1]
    out_dim = W3.shape[1]
    n_edges = edge_index.shape[1]

    cpt = -(-n_edges // (NW * CHUNK))
    cpt = GROUP * (-(-cpt // GROUP))
    e_pad = NW * cpt * CHUNK
    acc_rows = NS * (-(-(n_nodes + 1) // (8 * NS)) * 8)

    ei = edge_index.astype(jnp.int32)
    pad = e_pad - n_edges
    src_p = jnp.concatenate(
        [ei[0], jnp.zeros((pad,), jnp.int32)]).reshape(NW, cpt, CHUNK)
    dst_p = jnp.concatenate(
        [ei[1], jnp.full((pad,), n_nodes, jnp.int32)]).reshape(NW, cpt, CHUNK)

    ones16 = jnp.ones((CHUNK, LANES), jnp.float32)
    zeros16 = jnp.zeros((acc_rows // NS, LANES), jnp.float32)
    zeros64 = jnp.zeros((acc_rows // NS, hid), jnp.float32)

    deg_k = _make_deg_kernel(acc_rows, cpt)
    agg_k = _make_agg_kernel(acc_rows, cpt, hid, n_nodes)

    f32 = jnp.float32

    h1 = pl.pallas_call(
        _mm_body,
        out_shape=jax.ShapeDtypeStruct((n_nodes, hid), f32),
    )(x, W1)

    dp = deg_k(dst_p, ones16, zeros16)

    hp1, cc = pl.pallas_call(
        _make_prep_body(n_nodes, hid),
        out_shape=(jax.ShapeDtypeStruct((n_nodes, hid), f32),
                   jax.ShapeDtypeStruct((n_nodes, hid), f32)),
    )(dp, h1)

    a1 = agg_k(src_p, dst_p, hp1, zeros64)

    h2, hp2 = pl.pallas_call(
        _make_post_body(n_nodes),
        out_shape=(jax.ShapeDtypeStruct((n_nodes, hid), f32),
                   jax.ShapeDtypeStruct((n_nodes, hid), f32)),
    )(a1, cc, h1, b1.reshape(1, hid), W2)

    a2 = agg_k(src_p, dst_p, hp2, zeros64)

    out = pl.pallas_call(
        _make_post_final_body(n_nodes),
        out_shape=jax.ShapeDtypeStruct((n_nodes, out_dim), f32),
    )(a2, cc, h2, b2.reshape(1, hid), W3, b3.reshape(1, out_dim))

    return out

# --- scband reference (transcript-rebuilt; emitter-appended) ---
"""Pipeline reference for scband-graph-network-86569360818954 (READ-ONLY COPY).

The authoritative reference and input builder live on the scoring server;
editing this copy changes nothing except your own understanding.
"""

import jax, jax.numpy as jnp
import numpy as np

N_NODES = 10000
N_EDGES = 320000
IN_DIM = 128
HID_DIM = 64
OUT_DIM = 128


def gcn_conv(x, edge_index, W, b):
    num_nodes = x.shape[0]
    src = edge_index[0]
    dst = edge_index[1]
    # add self loops (PyG GCNConv default add_self_loops=True)
    loop = jnp.arange(num_nodes, dtype=src.dtype)
    src = jnp.concatenate([src, loop])
    dst = jnp.concatenate([dst, loop])
    # symmetric normalization: deg computed over dst (col)
    deg = jnp.zeros((num_nodes,), dtype=x.dtype).at[dst].add(1.0)
    deg_inv_sqrt = jnp.where(deg > 0, deg ** -0.5, 0.0)
    norm = deg_inv_sqrt[src] * deg_inv_sqrt[dst]
    h = x @ W  # linear transform (no bias inside lin)
    msg = h[src] * norm[:, None]  # gather + scale
    out = jnp.zeros((num_nodes, W.shape[1]), dtype=x.dtype).at[dst].add(msg)  # scatter-add
    return out + b


def setup_inputs(seed: int = 0) -> dict:
    key = jax.random.key(seed)
    k_x, k_e, k_w1, k_b1, k_w2, k_b2, k_w3, k_b3 = jax.random.split(key, 8)
    x = jax.random.normal(k_x, (N_NODES, IN_DIM), dtype=jnp.float32)
    edge_index = jax.random.randint(k_e, (2, N_EDGES), 0, N_NODES, dtype=jnp.int64)
    s1 = 1.0 / np.sqrt(IN_DIM)
    s2 = 1.0 / np.sqrt(HID_DIM)
    W1 = jax.random.uniform(k_w1, (IN_DIM, HID_DIM), jnp.float32, -s1, s1)
    b1 = jax.random.uniform(k_b1, (HID_DIM,), jnp.float32, -s1, s1)
    W2 = jax.random.uniform(k_w2, (HID_DIM, HID_DIM), jnp.float32, -s2, s2)
    b2 = jax.random.uniform(k_b2, (HID_DIM,), jnp.float32, -s2, s2)
    W3 = jax.random.uniform(k_w3, (HID_DIM, OUT_DIM), jnp.float32, -s2, s2)
    b3 = jax.random.uniform(k_b3, (OUT_DIM,), jnp.float32, -s2, s2)
    return {"x": x, "edge_index": edge_index, "W1": W1, "b1": b1, "W2": W2, "b2": b2, "W3": W3, "b3": b3}


def reference(x, edge_index, W1, b1, W2, b2, W3, b3):
    h = jax.nn.relu(gcn_conv(x, edge_index, W1, b1))
    h = jax.nn.relu(gcn_conv(h, edge_index, W2, b2))
    out = h @ W3 + b3
    return out

if __name__ == "__main__":
    import jax
    _d = setup_inputs()
    print(jax.jit(kernel)(*tuple(_d.values())))

</pallas_src>

<mosaic_0001>
#map = affine_map<(d0, d1) -> (0, 0, 0)>
#map1 = affine_map<(d0, d1) -> (0, 0)>
module attributes {stable_mosaic.version = 14 : i64} {
  func.func @agg_kernel(%arg0: i32, %arg1: i32, %arg2: memref<32x80x128xi32, #tpu.memory_space<hbm>>, %arg3: memref<32x80x128xi32, #tpu.memory_space<hbm>>, %arg4: memref<10000x64xf32, #tpu.memory_space<hbm>>, %arg5: memref<632x64xf32, #tpu.memory_space<hbm>>, %arg6: memref<2x10112x64xf32, #tpu.memory_space<hbm>>, %arg7: memref<80x128xi32, #tpu.memory_space<vmem>>, %arg8: memref<80x128xi32, #tpu.memory_space<vmem>>, %arg9: memref<128x64xf32, #tpu.memory_space<vmem>>, %arg10: memref<10000x64xf32, #tpu.memory_space<vmem_shared>>, %arg11: memref<10112x64xf32, #tpu.memory_space<vmem_shared>>) attributes {dimension_semantics = [#tpu.dimension_semantics<core_parallel>, #tpu.dimension_semantics<subcore_parallel>], iteration_bounds = array<i64: 2, 16>, scalar_prefetch = 0 : i64, scratch_operands = 5 : i64, tpu.core_type = #tpu.core_type<sc_vector_subcore>, window_params = [{transform_indices = #map}, {transform_indices = #map}, {transform_indices = #map1}, {transform_indices = #map1}, {transform_indices = #map}]} {
    %mul3A = arith.constant 2 : i32
    %mul3A_0 = arith.muli %arg1, %mul3A : i32
    %add3A = arith.addi %mul3A_0, %arg0 : i32
    "tpu.region"() ({
      %run_scoped3A = tpu.sem_alloc : memref<!tpu.dma_semaphore, #tpu.memory_space<semaphore_mem>>
      %dma_start3A = arith.constant 0 : i32
      %dma_start3A_18 = arith.constant 0 : i32
      %dma_start3A_19 = tpu.memref_slice %arg2[%add3A, %dma_start3A, %dma_start3A_18] : memref<32x80x128xi32, #tpu.memory_space<hbm>> -> memref<1x80x128xi32, #tpu.memory_space<hbm>>
      %dma_start3A_20 = tpu.memref_squeeze %dma_start3A_19 : memref<1x80x128xi32, #tpu.memory_space<hbm>> -> memref<80x128xi32, #tpu.memory_space<hbm>>
      %dma_start3A_21 = arith.constant 0 : i32
      %dma_start3A_22 = arith.constant 0 : i32
      %dma_start3A_23 = tpu.memref_slice %arg2[%add3A, %dma_start3A_21, %dma_start3A_22] : memref<32x80x128xi32, #tpu.memory_space<hbm>> -> memref<1x80x128xi32, #tpu.memory_space<hbm>>
      %dma_start3A_24 = tpu.memref_squeeze %dma_start3A_23 : memref<1x80x128xi32, #tpu.memory_space<hbm>> -> memref<80x128xi32, #tpu.memory_space<hbm>>
      tpu.enqueue_dma source(%dma_start3A_24 : memref<80x128xi32, #tpu.memory_space<hbm>>) target(%arg7 : memref<80x128xi32, #tpu.memory_space<vmem>>) target_semaphore(%run_scoped3A : memref<!tpu.dma_semaphore, #tpu.memory_space<semaphore_mem>>)
      %dma_wait3A = arith.constant 0 : i32
      %dma_wait3A_25 = arith.constant 0 : i32
      %dma_wait3A_26 = tpu.memref_slice %arg2[%add3A, %dma_wait3A, %dma_wait3A_25] : memref<32x80x128xi32, #tpu.memory_space<hbm>> -> memref<1x80x128xi32, #tpu.memory_space<hbm>>
      %dma_wait3A_27 = tpu.memref_squeeze %dma_wait3A_26 : memref<1x80x128xi32, #tpu.memory_space<hbm>> -> memref<80x128xi32, #tpu.memory_space<hbm>>
      %dma_wait3A_28 = arith.constant 0 : i32
      %dma_wait3A_29 = arith.constant 0 : i32
      %dma_wait3A_30 = tpu.memref_slice %arg2[%add3A, %dma_wait3A_28, %dma_wait3A_29] : memref<32x80x128xi32, #tpu.memory_space<hbm>> -> memref<1x80x128xi32, #tpu.memory_space<hbm>>
      %dma_wait3A_31 = tpu.memref_squeeze %dma_wait3A_30 : memref<1x80x128xi32, #tpu.memory_space<hbm>> -> memref<80x128xi32, #tpu.memory_space<hbm>>
      tpu.wait_dma2 semaphore(%run_scoped3A : memref<!tpu.dma_semaphore, #tpu.memory_space<semaphore_mem>>) src(%dma_wait3A_31 : memref<80x128xi32, #tpu.memory_space<hbm>>) dst(%arg7 : memref<80x128xi32, #tpu.memory_space<vmem>>)
      tpu.yield
    }) : () -> ()
    "tpu.region"() ({
      %run_scoped3A = tpu.sem_alloc : memref<!tpu.dma_semaphore, #tpu.memory_space<semaphore_mem>>
      %dma_start3A = arith.constant 0 : i32
      %dma_start3A_18 = arith.constant 0 : i32
      %dma_start3A_19 = tpu.memref_slice %arg3[%add3A, %dma_start3A, %dma_start3A_18] : memref<32x80x128xi32, #tpu.memory_space<hbm>> -> memref<1x80x128xi32, #tpu.memory_space<hbm>>
      %dma_start3A_20 = tpu.memref_squeeze %dma_start3A_19 : memref<1x80x128xi32, #tpu.memory_space<hbm>> -> memref<80x128xi32, #tpu.memory_space<hbm>>
      %dma_start3A_21 = arith.constant 0 : i32
      %dma_start3A_22 = arith.constant 0 : i32
      %dma_start3A_23 = tpu.memref_slice %arg3[%add3A, %dma_start3A_21, %dma_start3A_22] : memref<32x80x128xi32, #tpu.memory_space<hbm>> -> memref<1x80x128xi32, #tpu.memory_space<hbm>>
      %dma_start3A_24 = tpu.memref_squeeze %dma_start3A_23 : memref<1x80x128xi32, #tpu.memory_space<hbm>> -> memref<80x128xi32, #tpu.memory_space<hbm>>
      tpu.enqueue_dma source(%dma_start3A_24 : memref<80x128xi32, #tpu.memory_space<hbm>>) target(%arg8 : memref<80x128xi32, #tpu.memory_space<vmem>>) target_semaphore(%run_scoped3A : memref<!tpu.dma_semaphore, #tpu.memory_space<semaphore_mem>>)
      %dma_wait3A = arith.constant 0 : i32
      %dma_wait3A_25 = arith.constant 0 : i32
      %dma_wait3A_26 = tpu.memref_slice %arg3[%add3A, %dma_wait3A, %dma_wait3A_25] : memref<32x80x128xi32, #tpu.memory_space<hbm>> -> memref<1x80x128xi32, #tpu.memory_space<hbm>>
      %dma_wait3A_27 = tpu.memref_squeeze %dma_wait3A_26 : memref<1x80x128xi32, #tpu.memory_space<hbm>> -> memref<80x128xi32, #tpu.memory_space<hbm>>
      %dma_wait3A_28 = arith.constant 0 : i32
      %dma_wait3A_29 = arith.constant 0 : i32
      %dma_wait3A_30 = tpu.memref_slice %arg3[%add3A, %dma_wait3A_28, %dma_wait3A_29] : memref<32x80x128xi32, #tpu.memory_space<hbm>> -> memref<1x80x128xi32, #tpu.memory_space<hbm>>
      %dma_wait3A_31 = tpu.memref_squeeze %dma_wait3A_30 : memref<1x80x128xi32, #tpu.memory_space<hbm>> -> memref<80x128xi32, #tpu.memory_space<hbm>>
      tpu.wait_dma2 semaphore(%run_scoped3A : memref<!tpu.dma_semaphore, #tpu.memory_space<semaphore_mem>>) src(%dma_wait3A_31 : memref<80x128xi32, #tpu.memory_space<hbm>>) dst(%arg8 : memref<80x128xi32, #tpu.memory_space<vmem>>)
      tpu.yield
    }) : () -> ()
    %mul3A_1 = arith.constant 632 : i32
    %mul3A_2 = arith.muli %arg1, %mul3A_1 : i32
    "tpu.region"() ({
      %run_scoped3A = tpu.sem_alloc : memref<!tpu.dma_semaphore, #tpu.memory_space<semaphore_mem>>
      %dma_start3A = arith.constant 0 : i32
      %dma_start3A_18 = tpu.memref_slice %arg11[%mul3A_2, %dma_start3A] : memref<10112x64xf32, #tpu.memory_space<vmem_shared>> -> memref<632x64xf32, #tpu.memory_space<vmem_shared>>
      tpu.enqueue_dma source(%arg5 : memref<632x64xf32, #tpu.memory_space<hbm>>) target(%dma_start3A_18 : memref<632x64xf32, #tpu.memory_space<vmem_shared>>) target_semaphore(%run_scoped3A : memref<!tpu.dma_semaphore, #tpu.memory_space<semaphore_mem>>)
      %dma_wait3A = arith.constant 0 : i32
      %dma_wait3A_19 = tpu.memref_slice %arg11[%mul3A_2, %dma_wait3A] : memref<10112x64xf32, #tpu.memory_space<vmem_shared>> -> memref<632x64xf32, #tpu.memory_space<vmem_shared>>
      tpu.wait_dma2 semaphore(%run_scoped3A : memref<!tpu.dma_semaphore, #tpu.memory_space<semaphore_mem>>) src(%arg5 : memref<632x64xf32, #tpu.memory_space<hbm>>) dst(%dma_wait3A_19 : memref<632x64xf32, #tpu.memory_space<vmem_shared>>)
      tpu.yield
    }) : () -> ()
    %lt3A = arith.constant 15 : i32
    %lt3A_3 = arith.cmpi slt, %arg1, %lt3A : i32
    %convert_element_type3A = arith.extui %lt3A_3 : i1 to i32
    %cond3A = arith.constant 0 : i32
    %cond3A_4 = arith.cmpi ne, %convert_element_type3A, %cond3A : i32
    scf.if %cond3A_4 {
      %mul3A_18 = arith.constant 632 : i32
      %mul3A_19 = arith.muli %arg1, %mul3A_18 : i32
      %mul3A_20 = arith.constant 632 : i32
      %mul3A_21 = arith.muli %arg1, %mul3A_20 : i32
      "tpu.region"() ({
        %run_scoped3A = tpu.sem_alloc : memref<!tpu.dma_semaphore, #tpu.memory_space<semaphore_mem>>
        %dma_start3A = arith.constant 0 : i32
        %dma_start3A_22 = tpu.memref_slice %arg10[%mul3A_21, %dma_start3A] : memref<10000x64xf32, #tpu.memory_space<vmem_shared>> -> memref<632x64xf32, #tpu.memory_space<vmem_shared>>
        %dma_start3A_23 = arith.constant 0 : i32
        %dma_start3A_24 = tpu.memref_slice %arg4[%mul3A_19, %dma_start3A_23] : memref<10000x64xf32, #tpu.memory_space<hbm>> -> memref<632x64xf32, #tpu.memory_space<hbm>>
        tpu.enqueue_dma source(%dma_start3A_24 : memref<632x64xf32, #tpu.memory_space<hbm>>) target(%dma_start3A_22 : memref<632x64xf32, #tpu.memory_space<vmem_shared>>) target_semaphore(%run_scoped3A : memref<!tpu.dma_semaphore, #tpu.memory_space<semaphore_mem>>)
        %dma_wait3A = arith.constant 0 : i32
        %dma_wait3A_25 = tpu.memref_slice %arg10[%mul3A_21, %dma_wait3A] : memref<10000x64xf32, #tpu.memory_space<vmem_shared>> -> memref<632x64xf32, #tpu.memory_space<vmem_shared>>
        %dma_wait3A_26 = arith.constant 0 : i32
        %dma_wait3A_27 = tpu.memref_slice %arg4[%mul3A_19, %dma_wait3A_26] : memref<10000x64xf32, #tpu.memory_space<hbm>> -> memref<632x64xf32, #tpu.memory_space<hbm>>
        tpu.wait_dma2 semaphore(%run_scoped3A : memref<!tpu.dma_semaphore, #tpu.memory_space<semaphore_mem>>) src(%dma_wait3A_27 : memref<632x64xf32, #tpu.memory_space<hbm>>) dst(%dma_wait3A_25 : memref<632x64xf32, #tpu.memory_space<vmem_shared>>)
        tpu.yield
      }) : () -> ()
    } else {
    }
    %eq3A = arith.constant 15 : i32
    %eq3A_5 = arith.cmpi eq, %arg1, %eq3A : i32
    %convert_element_type3A_6 = arith.extui %eq3A_5 : i1 to i32
    %cond3A_7 = arith.constant 0 : i32
    %cond3A_8 = arith.cmpi ne, %convert_element_type3A_6, %cond3A_7 : i32
    scf.if %cond3A_8 {
      "tpu.region"() ({
        %run_scoped3A = tpu.sem_alloc : memref<!tpu.dma_semaphore, #tpu.memory_space<semaphore_mem>>
        %dma_start3A = arith.constant 9480 : i32
        %dma_start3A_18 = arith.constant 0 : i32
        %dma_start3A_19 = tpu.memref_slice %arg10[%dma_start3A, %dma_start3A_18] : memref<10000x64xf32, #tpu.memory_space<vmem_shared>> -> memref<520x64xf32, #tpu.memory_space<vmem_shared>>
        %dma_start3A_20 = arith.constant 9480 : i32
        %dma_start3A_21 = arith.constant 0 : i32
        %dma_start3A_22 = tpu.memref_slice %arg4[%dma_start3A_20, %dma_start3A_21] : memref<10000x64xf32, #tpu.memory_space<hbm>> -> memref<520x64xf32, #tpu.memory_space<hbm>>
        tpu.enqueue_dma source(%dma_start3A_22 : memref<520x64xf32, #tpu.memory_space<hbm>>) target(%dma_start3A_19 : memref<520x64xf32, #tpu.memory_space<vmem_shared>>) target_semaphore(%run_scoped3A : memref<!tpu.dma_semaphore, #tpu.memory_space<semaphore_mem>>)
        %dma_wait3A = arith.constant 9480 : i32
        %dma_wait3A_23 = arith.constant 0 : i32
        %dma_wait3A_24 = tpu.memref_slice %arg10[%dma_wait3A, %dma_wait3A_23] : memref<10000x64xf32, #tpu.memory_space<vmem_shared>> -> memref<520x64xf32, #tpu.memory_space<vmem_shared>>
        %dma_wait3A_25 = arith.constant 9480 : i32
        %dma_wait3A_26 = arith.constant 0 : i32
        %dma_wait3A_27 = tpu.memref_slice %arg4[%dma_wait3A_25, %dma_wait3A_26] : memref<10000x64xf32, #tpu.memory_space<hbm>> -> memref<520x64xf32, #tpu.memory_space<hbm>>
        tpu.wait_dma2 semaphore(%run_scoped3A : memref<!tpu.dma_semaphore, #tpu.memory_space<semaphore_mem>>) src(%dma_wait3A_27 : memref<520x64xf32, #tpu.memory_space<hbm>>) dst(%dma_wait3A_24 : memref<520x64xf32, #tpu.memory_space<vmem_shared>>)
        tpu.yield
      }) : () -> ()
    } else {
    }
    %barrier3A = arith.constant 0 : index
    tpu.barrier barrier_id(%barrier3A)
    %scan3A = arith.constant 0 : i32
    %scan3A_9 = arith.constant 80 : i32
    %scan3A_10 = arith.addi %scan3A, %scan3A_9 : i32
    %scan3A_11 = arith.constant 1 : i32
    scf.for %scan3A_18 = %scan3A to %scan3A_10 step %scan3A_11  : i32 {
      %mul3A_19 = arith.constant 1 : i32
      %mul3A_20 = arith.muli %scan3A_18, %mul3A_19 : i32
      %add3A_21 = arith.constant 0 : i32
      %add3A_22 = arith.addi %add3A_21, %mul3A_20 : i32
      "tpu.region"() ({
        %run_scoped3A = tpu.sem_alloc : memref<!tpu.dma_semaphore, #tpu.memory_space<semaphore_mem>>
        %dma_start3A = arith.constant 0 : i32
        %dma_start3A_23 = tpu.memref_slice %arg7[%add3A_22, %dma_start3A] : memref<80x128xi32, #tpu.memory_space<vmem>> -> memref<1x128xi32, #tpu.memory_space<vmem>>
        %dma_start3A_24 = tpu.memref_squeeze %dma_start3A_23 : memref<1x128xi32, #tpu.memory_space<vmem>> -> memref<128xi32, #tpu.memory_space<vmem>>
        %dma_start3A_25 = arith.constant 0 : i32
        %dma_start3A_26 = arith.constant 0 : i32
        %dma_start3A_27 = tpu.memref_slice %arg10[%dma_start3A_25, %dma_start3A_26] : memref<10000x64xf32, #tpu.memory_space<vmem_shared>> -> memref<10000x64xf32, #tpu.memory_space<vmem_shared>>
        tpu.enqueue_indirect_dma source(%dma_start3A_27 : memref<10000x64xf32, #tpu.memory_space<vmem_shared>>) target(%arg9 : memref<128x64xf32, #tpu.memory_space<vmem>>) offsets(%dma_start3A_24 : memref<128xi32, #tpu.memory_space<vmem>>) semaphore(%run_scoped3A : memref<!tpu.dma_semaphore, #tpu.memory_space<semaphore_mem>>)
        %dma_wait3A = arith.constant 0 : i32
        %dma_wait3A_28 = tpu.memref_slice %arg7[%add3A_22, %dma_wait3A] : memref<80x128xi32, #tpu.memory_space<vmem>> -> memref<1x128xi32, #tpu.memory_space<vmem>>
        %dma_wait3A_29 = tpu.memref_squeeze %dma_wait3A_28 : memref<1x128xi32, #tpu.memory_space<vmem>> -> memref<128xi32, #tpu.memory_space<vmem>>
        %dma_wait3A_30 = arith.constant 0 : i32
        %dma_wait3A_31 = arith.constant 0 : i32
        %dma_wait3A_32 = tpu.memref_slice %arg10[%dma_wait3A_30, %dma_wait3A_31] : memref<10000x64xf32, #tpu.memory_space<vmem_shared>> -> memref<10000x64xf32, #tpu.memory_space<vmem_shared>>
        tpu.wait_indirect_dma semaphore(%run_scoped3A : memref<!tpu.dma_semaphore, #tpu.memory_space<semaphore_mem>>) src(%dma_wait3A_32 : memref<10000x64xf32, #tpu.memory_space<vmem_shared>>) dst(%arg9 : memref<128x64xf32, #tpu.memory_space<vmem>>)
        tpu.yield
      }) : () -> ()
      "tpu.region"() ({
        %run_scoped3A = tpu.sem_alloc : memref<!tpu.dma_semaphore, #tpu.memory_space<semaphore_mem>>
        %dma_start3A = arith.constant 0 : i32
        %dma_start3A_23 = tpu.memref_slice %arg8[%add3A_22, %dma_start3A] : memref<80x128xi32, #tpu.memory_space<vmem>> -> memref<1x128xi32, #tpu.memory_space<vmem>>
        %dma_start3A_24 = tpu.memref_squeeze %dma_start3A_23 : memref<1x128xi32, #tpu.memory_space<vmem>> -> memref<128xi32, #tpu.memory_space<vmem>>
        %dma_start3A_25 = arith.constant 0 : i32
        %dma_start3A_26 = arith.constant 0 : i32
        %dma_start3A_27 = tpu.memref_slice %arg11[%dma_start3A_25, %dma_start3A_26] : memref<10112x64xf32, #tpu.memory_space<vmem_shared>> -> memref<10112x64xf32, #tpu.memory_space<vmem_shared>>
        tpu.enqueue_indirect_dma source(%arg9 : memref<128x64xf32, #tpu.memory_space<vmem>>) target(%dma_start3A_27 : memref<10112x64xf32, #tpu.memory_space<vmem_shared>>) offsets(%dma_start3A_24 : memref<128xi32, #tpu.memory_space<vmem>>) semaphore(%run_scoped3A : memref<!tpu.dma_semaphore, #tpu.memory_space<semaphore_mem>>) {add = true}
        %dma_wait3A = arith.constant 0 : i32
        %dma_wait3A_28 = tpu.memref_slice %arg8[%add3A_22, %dma_wait3A] : memref<80x128xi32, #tpu.memory_space<vmem>> -> memref<1x128xi32, #tpu.memory_space<vmem>>
        %dma_wait3A_29 = tpu.memref_squeeze %dma_wait3A_28 : memref<1x128xi32, #tpu.memory_space<vmem>> -> memref<128xi32, #tpu.memory_space<vmem>>
        %dma_wait3A_30 = arith.constant 0 : i32
        %dma_wait3A_31 = arith.constant 0 : i32
        %dma_wait3A_32 = tpu.memref_slice %arg11[%dma_wait3A_30, %dma_wait3A_31] : memref<10112x64xf32, #tpu.memory_space<vmem_shared>> -> memref<10112x64xf32, #tpu.memory_space<vmem_shared>>
        tpu.wait_indirect_dma semaphore(%run_scoped3A : memref<!tpu.dma_semaphore, #tpu.memory_space<semaphore_mem>>) src(%arg9 : memref<128x64xf32, #tpu.memory_space<vmem>>) dst(%dma_wait3A_32 : memref<10112x64xf32, #tpu.memory_space<vmem_shared>>)
        tpu.yield
      }) : () -> ()
    }
    %scan3A_12 = arith.constant 80 : i32
    %barrier3A_13 = arith.constant 0 : index
    tpu.barrier barrier_id(%barrier3A_13)
    %mul3A_14 = arith.constant 632 : i32
    %mul3A_15 = arith.muli %arg1, %mul3A_14 : i32
    %mul3A_16 = arith.constant 632 : i32
    %mul3A_17 = arith.muli %arg1, %mul3A_16 : i32
    "tpu.region"() ({
      %run_scoped3A = tpu.sem_alloc : memref<!tpu.dma_semaphore, #tpu.memory_space<semaphore_mem>>
      %dma_start3A = arith.constant 0 : i32
      %dma_start3A_18 = tpu.memref_slice %arg6[%arg0, %mul3A_17, %dma_start3A] : memref<2x10112x64xf32, #tpu.memory_space<hbm>> -> memref<1x632x64xf32, #tpu.memory_space<hbm>>
      %dma_start3A_19 = tpu.memref_squeeze %dma_start3A_18 : memref<1x632x64xf32, #tpu.memory_space<hbm>> -> memref<632x64xf32, #tpu.memory_space<hbm>>
      %dma_start3A_20 = arith.constant 0 : i32
      %dma_start3A_21 = tpu.memref_slice %arg11[%mul3A_15, %dma_start3A_20] : memref<10112x64xf32, #tpu.memory_space<vmem_shared>> -> memref<632x64xf32, #tpu.memory_space<vmem_shared>>
      tpu.enqueue_dma source(%dma_start3A_21 : memref<632x64xf32, #tpu.memory_space<vmem_shared>>) target(%dma_start3A_19 : memref<632x64xf32, #tpu.memory_space<hbm>>) target_semaphore(%run_scoped3A : memref<!tpu.dma_semaphore, #tpu.memory_space<semaphore_mem>>)
      %dma_wait3A = arith.constant 0 : i32
      %dma_wait3A_22 = tpu.memref_slice %arg6[%arg0, %mul3A_17, %dma_wait3A] : memref<2x10112x64xf32, #tpu.memory_space<hbm>> -> memref<1x632x64xf32, #tpu.memory_space<hbm>>
      %dma_wait3A_23 = tpu.memref_squeeze %dma_wait3A_22 : memref<1x632x64xf32, #tpu.memory_space<hbm>> -> memref<632x64xf32, #tpu.memory_space<hbm>>
      %dma_wait3A_24 = arith.constant 0 : i32
      %dma_wait3A_25 = tpu.memref_slice %arg11[%mul3A_15, %dma_wait3A_24] : memref<10112x64xf32, #tpu.memory_space<vmem_shared>> -> memref<632x64xf32, #tpu.memory_space<vmem_shared>>
      tpu.wait_dma2 semaphore(%run_scoped3A : memref<!tpu.dma_semaphore, #tpu.memory_space<semaphore_mem>>) src(%dma_wait3A_25 : memref<632x64xf32, #tpu.memory_space<vmem_shared>>) dst(%dma_wait3A_23 : memref<632x64xf32, #tpu.memory_space<hbm>>)
      tpu.yield
    }) : () -> ()
    return
  }
}

#map = affine_map<(d0, d1) -> (0, 0, 0)>
#map1 = affine_map<(d0, d1) -> (0, 0)>
module attributes {stable_mosaic.version = 14 : i64} {
  func.func @deg_kernel(%arg0: i32, %arg1: i32, %arg2: memref<32x80x128xi32, #tpu.memory_space<hbm>>, %arg3: memref<128x16xf32, #tpu.memory_space<hbm>>, %arg4: memref<632x16xf32, #tpu.memory_space<hbm>>, %arg5: memref<2x10112x16xf32, #tpu.memory_space<hbm>>, %arg6: memref<80x128xi32, #tpu.memory_space<vmem>>, %arg7: memref<128x16xf32, #tpu.memory_space<vmem>>, %arg8: memref<10112x16xf32, #tpu.memory_space<vmem_shared>>) attributes {dimension_semantics = [#tpu.dimension_semantics<core_parallel>, #tpu.dimension_semantics<subcore_parallel>], iteration_bounds = array<i64: 2, 16>, scalar_prefetch = 0 : i64, scratch_operands = 3 : i64, tpu.core_type = #tpu.core_type<sc_vector_subcore>, window_params = [{transform_indices = #map}, {transform_indices = #map1}, {transform_indices = #map1}, {transform_indices = #map}]} {
    %mul3A = arith.constant 2 : i32
    %mul3A_0 = arith.muli %arg1, %mul3A : i32
    %add3A = arith.addi %mul3A_0, %arg0 : i32
    "tpu.region"() ({
      %run_scoped3A = tpu.sem_alloc : memref<!tpu.dma_semaphore, #tpu.memory_space<semaphore_mem>>
      %dma_start3A = arith.constant 0 : i32
      %dma_start3A_12 = arith.constant 0 : i32
      %dma_start3A_13 = tpu.memref_slice %arg2[%add3A, %dma_start3A, %dma_start3A_12] : memref<32x80x128xi32, #tpu.memory_space<hbm>> -> memref<1x80x128xi32, #tpu.memory_space<hbm>>
      %dma_start3A_14 = tpu.memref_squeeze %dma_start3A_13 : memref<1x80x128xi32, #tpu.memory_space<hbm>> -> memref<80x128xi32, #tpu.memory_space<hbm>>
      %dma_start3A_15 = arith.constant 0 : i32
      %dma_start3A_16 = arith.constant 0 : i32
      %dma_start3A_17 = tpu.memref_slice %arg2[%add3A, %dma_start3A_15, %dma_start3A_16] : memref<32x80x128xi32, #tpu.memory_space<hbm>> -> memref<1x80x128xi32, #tpu.memory_space<hbm>>
      %dma_start3A_18 = tpu.memref_squeeze %dma_start3A_17 : memref<1x80x128xi32, #tpu.memory_space<hbm>> -> memref<80x128xi32, #tpu.memory_space<hbm>>
      tpu.enqueue_dma source(%dma_start3A_18 : memref<80x128xi32, #tpu.memory_space<hbm>>) target(%arg6 : memref<80x128xi32, #tpu.memory_space<vmem>>) target_semaphore(%run_scoped3A : memref<!tpu.dma_semaphore, #tpu.memory_space<semaphore_mem>>)
      %dma_wait3A = arith.constant 0 : i32
      %dma_wait3A_19 = arith.constant 0 : i32
      %dma_wait3A_20 = tpu.memref_slice %arg2[%add3A, %dma_wait3A, %dma_wait3A_19] : memref<32x80x128xi32, #tpu.memory_space<hbm>> -> memref<1x80x128xi32, #tpu.memory_space<hbm>>
      %dma_wait3A_21 = tpu.memref_squeeze %dma_wait3A_20 : memref<1x80x128xi32, #tpu.memory_space<hbm>> -> memref<80x128xi32, #tpu.memory_space<hbm>>
      %dma_wait3A_22 = arith.constant 0 : i32
      %dma_wait3A_23 = arith.constant 0 : i32
      %dma_wait3A_24 = tpu.memref_slice %arg2[%add3A, %dma_wait3A_22, %dma_wait3A_23] : memref<32x80x128xi32, #tpu.memory_space<hbm>> -> memref<1x80x128xi32, #tpu.memory_space<hbm>>
      %dma_wait3A_25 = tpu.memref_squeeze %dma_wait3A_24 : memref<1x80x128xi32, #tpu.memory_space<hbm>> -> memref<80x128xi32, #tpu.memory_space<hbm>>
      tpu.wait_dma2 semaphore(%run_scoped3A : memref<!tpu.dma_semaphore, #tpu.memory_space<semaphore_mem>>) src(%dma_wait3A_25 : memref<80x128xi32, #tpu.memory_space<hbm>>) dst(%arg6 : memref<80x128xi32, #tpu.memory_space<vmem>>)
      tpu.yield
    }) : () -> ()
    "tpu.region"() ({
      %run_scoped3A = tpu.sem_alloc : memref<!tpu.dma_semaphore, #tpu.memory_space<semaphore_mem>>
      tpu.enqueue_dma source(%arg3 : memref<128x16xf32, #tpu.memory_space<hbm>>) target(%arg7 : memref<128x16xf32, #tpu.memory_space<vmem>>) target_semaphore(%run_scoped3A : memref<!tpu.dma_semaphore, #tpu.memory_space<semaphore_mem>>)
      tpu.wait_dma2 semaphore(%run_scoped3A : memref<!tpu.dma_semaphore, #tpu.memory_space<semaphore_mem>>) src(%arg3 : memref<128x16xf32, #tpu.memory_space<hbm>>) dst(%arg7 : memref<128x16xf32, #tpu.memory_space<vmem>>)
      tpu.yield
    }) : () -> ()
    %mul3A_1 = arith.constant 632 : i32
    %mul3A_2 = arith.muli %arg1, %mul3A_1 : i32
    "tpu.region"() ({
      %run_scoped3A = tpu.sem_alloc : memref<!tpu.dma_semaphore, #tpu.memory_space<semaphore_mem>>
      %dma_start3A = arith.constant 0 : i32
      %dma_start3A_12 = tpu.memref_slice %arg8[%mul3A_2, %dma_start3A] : memref<10112x16xf32, #tpu.memory_space<vmem_shared>> -> memref<632x16xf32, #tpu.memory_space<vmem_shared>>
      tpu.enqueue_dma source(%arg4 : memref<632x16xf32, #tpu.memory_space<hbm>>) target(%dma_start3A_12 : memref<632x16xf32, #tpu.memory_space<vmem_shared>>) target_semaphore(%run_scoped3A : memref<!tpu.dma_semaphore, #tpu.memory_space<semaphore_mem>>)
      %dma_wait3A = arith.constant 0 : i32
      %dma_wait3A_13 = tpu.memref_slice %arg8[%mul3A_2, %dma_wait3A] : memref<10112x16xf32, #tpu.memory_space<vmem_shared>> -> memref<632x16xf32, #tpu.memory_space<vmem_shared>>
      tpu.wait_dma2 semaphore(%run_scoped3A : memref<!tpu.dma_semaphore, #tpu.memory_space<semaphore_mem>>) src(%arg4 : memref<632x16xf32, #tpu.memory_space<hbm>>) dst(%dma_wait3A_13 : memref<632x16xf32, #tpu.memory_space<vmem_shared>>)
      tpu.yield
    }) : () -> ()
    %barrier3A = arith.constant 0 : index
    tpu.barrier barrier_id(%barrier3A)
    %scan3A = arith.constant 0 : i32
    %scan3A_3 = arith.constant 80 : i32
    %scan3A_4 = arith.addi %scan3A, %scan3A_3 : i32
    %scan3A_5 = arith.constant 1 : i32
    scf.for %scan3A_12 = %scan3A to %scan3A_4 step %scan3A_5  : i32 {
      %mul3A_13 = arith.constant 1 : i32
      %mul3A_14 = arith.muli %scan3A_12, %mul3A_13 : i32
      %add3A_15 = arith.constant 0 : i32
      %add3A_16 = arith.addi %add3A_15, %mul3A_14 : i32
      "tpu.region"() ({
        %run_scoped3A = tpu.sem_alloc : memref<!tpu.dma_semaphore, #tpu.memory_space<semaphore_mem>>
        %dma_start3A = arith.constant 0 : i32
        %dma_start3A_17 = tpu.memref_slice %arg6[%add3A_16, %dma_start3A] : memref<80x128xi32, #tpu.memory_space<vmem>> -> memref<1x128xi32, #tpu.memory_space<vmem>>
        %dma_start3A_18 = tpu.memref_squeeze %dma_start3A_17 : memref<1x128xi32, #tpu.memory_space<vmem>> -> memref<128xi32, #tpu.memory_space<vmem>>
        %dma_start3A_19 = arith.constant 0 : i32
        %dma_start3A_20 = arith.constant 0 : i32
        %dma_start3A_21 = tpu.memref_slice %arg8[%dma_start3A_19, %dma_start3A_20] : memref<10112x16xf32, #tpu.memory_space<vmem_shared>> -> memref<10112x16xf32, #tpu.memory_space<vmem_shared>>
        tpu.enqueue_indirect_dma source(%arg7 : memref<128x16xf32, #tpu.memory_space<vmem>>) target(%dma_start3A_21 : memref<10112x16xf32, #tpu.memory_space<vmem_shared>>) offsets(%dma_start3A_18 : memref<128xi32, #tpu.memory_space<vmem>>) semaphore(%run_scoped3A : memref<!tpu.dma_semaphore, #tpu.memory_space<semaphore_mem>>) {add = true}
        %dma_wait3A = arith.constant 0 : i32
        %dma_wait3A_22 = tpu.memref_slice %arg6[%add3A_16, %dma_wait3A] : memref<80x128xi32, #tpu.memory_space<vmem>> -> memref<1x128xi32, #tpu.memory_space<vmem>>
        %dma_wait3A_23 = tpu.memref_squeeze %dma_wait3A_22 : memref<1x128xi32, #tpu.memory_space<vmem>> -> memref<128xi32, #tpu.memory_space<vmem>>
        %dma_wait3A_24 = arith.constant 0 : i32
        %dma_wait3A_25 = arith.constant 0 : i32
        %dma_wait3A_26 = tpu.memref_slice %arg8[%dma_wait3A_24, %dma_wait3A_25] : memref<10112x16xf32, #tpu.memory_space<vmem_shared>> -> memref<10112x16xf32, #tpu.memory_space<vmem_shared>>
        tpu.wait_indirect_dma semaphore(%run_scoped3A : memref<!tpu.dma_semaphore, #tpu.memory_space<semaphore_mem>>) src(%arg7 : memref<128x16xf32, #tpu.memory_space<vmem>>) dst(%dma_wait3A_26 : memref<10112x16xf32, #tpu.memory_space<vmem_shared>>)
        tpu.yield
      }) : () -> ()
    }
    %scan3A_6 = arith.constant 80 : i32
    %barrier3A_7 = arith.constant 0 : index
    tpu.barrier barrier_id(%barrier3A_7)
    %mul3A_8 = arith.constant 632 : i32
    %mul3A_9 = arith.muli %arg1, %mul3A_8 : i32
    %mul3A_10 = arith.constant 632 : i32
    %mul3A_11 = arith.muli %arg1, %mul3A_10 : i32
    "tpu.region"() ({
      %run_scoped3A = tpu.sem_alloc : memref<!tpu.dma_semaphore, #tpu.memory_space<semaphore_mem>>
      %dma_start3A = arith.constant 0 : i32
      %dma_start3A_12 = tpu.memref_slice %arg5[%arg0, %mul3A_11, %dma_start3A] : memref<2x10112x16xf32, #tpu.memory_space<hbm>> -> memref<1x632x16xf32, #tpu.memory_space<hbm>>
      %dma_start3A_13 = tpu.memref_squeeze %dma_start3A_12 : memref<1x632x16xf32, #tpu.memory_space<hbm>> -> memref<632x16xf32, #tpu.memory_space<hbm>>
      %dma_start3A_14 = arith.constant 0 : i32
      %dma_start3A_15 = tpu.memref_slice %arg8[%mul3A_9, %dma_start3A_14] : memref<10112x16xf32, #tpu.memory_space<vmem_shared>> -> memref<632x16xf32, #tpu.memory_space<vmem_shared>>
      tpu.enqueue_dma source(%dma_start3A_15 : memref<632x16xf32, #tpu.memory_space<vmem_shared>>) target(%dma_start3A_13 : memref<632x16xf32, #tpu.memory_space<hbm>>) target_semaphore(%run_scoped3A : memref<!tpu.dma_semaphore, #tpu.memory_space<semaphore_mem>>)
      %dma_wait3A = arith.constant 0 : i32
      %dma_wait3A_16 = tpu.memref_slice %arg5[%arg0, %mul3A_11, %dma_wait3A] : memref<2x10112x16xf32, #tpu.memory_space<hbm>> -> memref<1x632x16xf32, #tpu.memory_space<hbm>>
      %dma_wait3A_17 = tpu.memref_squeeze %dma_wait3A_16 : memref<1x632x16xf32, #tpu.memory_space<hbm>> -> memref<632x16xf32, #tpu.memory_space<hbm>>
      %dma_wait3A_18 = arith.constant 0 : i32
      %dma_wait3A_19 = tpu.memref_slice %arg8[%mul3A_9, %dma_wait3A_18] : memref<10112x16xf32, #tpu.memory_space<vmem_shared>> -> memref<632x16xf32, #tpu.memory_space<vmem_shared>>
      tpu.wait_dma2 semaphore(%run_scoped3A : memref<!tpu.dma_semaphore, #tpu.memory_space<semaphore_mem>>) src(%dma_wait3A_19 : memref<632x16xf32, #tpu.memory_space<vmem_shared>>) dst(%dma_wait3A_17 : memref<632x16xf32, #tpu.memory_space<hbm>>)
      tpu.yield
    }) : () -> ()
    return
  }
}

#map = affine_map<(d0, d1) -> (0, 0, 0)>
#map1 = affine_map<(d0, d1) -> (0, 0)>
module attributes {stable_mosaic.version = 14 : i64} {
  func.func @agg_kernel(%arg0: i32, %arg1: i32, %arg2: memref<32x80x128xi32, #tpu.memory_space<hbm>>, %arg3: memref<32x80x128xi32, #tpu.memory_space<hbm>>, %arg4: memref<10000x64xf32, #tpu.memory_space<hbm>>, %arg5: memref<632x64xf32, #tpu.memory_space<hbm>>, %arg6: memref<2x10112x64xf32, #tpu.memory_space<hbm>>, %arg7: memref<80x128xi32, #tpu.memory_space<vmem>>, %arg8: memref<80x128xi32, #tpu.memory_space<vmem>>, %arg9: memref<128x64xf32, #tpu.memory_space<vmem>>, %arg10: memref<10000x64xf32, #tpu.memory_space<vmem_shared>>, %arg11: memref<10112x64xf32, #tpu.memory_space<vmem_shared>>) attributes {dimension_semantics = [#tpu.dimension_semantics<core_parallel>, #tpu.dimension_semantics<subcore_parallel>], iteration_bounds = array<i64: 2, 16>, scalar_prefetch = 0 : i64, scratch_operands = 5 : i64, tpu.core_type = #tpu.core_type<sc_vector_subcore>, window_params = [{transform_indices = #map}, {transform_indices = #map}, {transform_indices = #map1}, {transform_indices = #map1}, {transform_indices = #map}]} {
    %mul3A = arith.constant 2 : i32
    %mul3A_0 = arith.muli %arg1, %mul3A : i32
    %add3A = arith.addi %mul3A_0, %arg0 : i32
    "tpu.region"() ({
      %run_scoped3A = tpu.sem_alloc : memref<!tpu.dma_semaphore, #tpu.memory_space<semaphore_mem>>
      %dma_start3A = arith.constant 0 : i32
      %dma_start3A_18 = arith.constant 0 : i32
      %dma_start3A_19 = tpu.memref_slice %arg2[%add3A, %dma_start3A, %dma_start3A_18] : memref<32x80x128xi32, #tpu.memory_space<hbm>> -> memref<1x80x128xi32, #tpu.memory_space<hbm>>
      %dma_start3A_20 = tpu.memref_squeeze %dma_start3A_19 : memref<1x80x128xi32, #tpu.memory_space<hbm>> -> memref<80x128xi32, #tpu.memory_space<hbm>>
      %dma_start3A_21 = arith.constant 0 : i32
      %dma_start3A_22 = arith.constant 0 : i32
      %dma_start3A_23 = tpu.memref_slice %arg2[%add3A, %dma_start3A_21, %dma_start3A_22] : memref<32x80x128xi32, #tpu.memory_space<hbm>> -> memref<1x80x128xi32, #tpu.memory_space<hbm>>
      %dma_start3A_24 = tpu.memref_squeeze %dma_start3A_23 : memref<1x80x128xi32, #tpu.memory_space<hbm>> -> memref<80x128xi32, #tpu.memory_space<hbm>>
      tpu.enqueue_dma source(%dma_start3A_24 : memref<80x128xi32, #tpu.memory_space<hbm>>) target(%arg7 : memref<80x128xi32, #tpu.memory_space<vmem>>) target_semaphore(%run_scoped3A : memref<!tpu.dma_semaphore, #tpu.memory_space<semaphore_mem>>)
      %dma_wait3A = arith.constant 0 : i32
      %dma_wait3A_25 = arith.constant 0 : i32
      %dma_wait3A_26 = tpu.memref_slice %arg2[%add3A, %dma_wait3A, %dma_wait3A_25] : memref<32x80x128xi32, #tpu.memory_space<hbm>> -> memref<1x80x128xi32, #tpu.memory_space<hbm>>
      %dma_wait3A_27 = tpu.memref_squeeze %dma_wait3A_26 : memref<1x80x128xi32, #tpu.memory_space<hbm>> -> memref<80x128xi32, #tpu.memory_space<hbm>>
      %dma_wait3A_28 = arith.constant 0 : i32
      %dma_wait3A_29 = arith.constant 0 : i32
      %dma_wait3A_30 = tpu.memref_slice %arg2[%add3A, %dma_wait3A_28, %dma_wait3A_29] : memref<32x80x128xi32, #tpu.memory_space<hbm>> -> memref<1x80x128xi32, #tpu.memory_space<hbm>>
      %dma_wait3A_31 = tpu.memref_squeeze %dma_wait3A_30 : memref<1x80x128xi32, #tpu.memory_space<hbm>> -> memref<80x128xi32, #tpu.memory_space<hbm>>
      tpu.wait_dma2 semaphore(%run_scoped3A : memref<!tpu.dma_semaphore, #tpu.memory_space<semaphore_mem>>) src(%dma_wait3A_31 : memref<80x128xi32, #tpu.memory_space<hbm>>) dst(%arg7 : memref<80x128xi32, #tpu.memory_space<vmem>>)
      tpu.yield
    }) : () -> ()
    "tpu.region"() ({
      %run_scoped3A = tpu.sem_alloc : memref<!tpu.dma_semaphore, #tpu.memory_space<semaphore_mem>>
      %dma_start3A = arith.constant 0 : i32
      %dma_start3A_18 = arith.constant 0 : i32
      %dma_start3A_19 = tpu.memref_slice %arg3[%add3A, %dma_start3A, %dma_start3A_18] : memref<32x80x128xi32, #tpu.memory_space<hbm>> -> memref<1x80x128xi32, #tpu.memory_space<hbm>>
      %dma_start3A_20 = tpu.memref_squeeze %dma_start3A_19 : memref<1x80x128xi32, #tpu.memory_space<hbm>> -> memref<80x128xi32, #tpu.memory_space<hbm>>
      %dma_start3A_21 = arith.constant 0 : i32
      %dma_start3A_22 = arith.constant 0 : i32
      %dma_start3A_23 = tpu.memref_slice %arg3[%add3A, %dma_start3A_21, %dma_start3A_22] : memref<32x80x128xi32, #tpu.memory_space<hbm>> -> memref<1x80x128xi32, #tpu.memory_space<hbm>>
      %dma_start3A_24 = tpu.memref_squeeze %dma_start3A_23 : memref<1x80x128xi32, #tpu.memory_space<hbm>> -> memref<80x128xi32, #tpu.memory_space<hbm>>
      tpu.enqueue_dma source(%dma_start3A_24 : memref<80x128xi32, #tpu.memory_space<hbm>>) target(%arg8 : memref<80x128xi32, #tpu.memory_space<vmem>>) target_semaphore(%run_scoped3A : memref<!tpu.dma_semaphore, #tpu.memory_space<semaphore_mem>>)
      %dma_wait3A = arith.constant 0 : i32
      %dma_wait3A_25 = arith.constant 0 : i32
      %dma_wait3A_26 = tpu.memref_slice %arg3[%add3A, %dma_wait3A, %dma_wait3A_25] : memref<32x80x128xi32, #tpu.memory_space<hbm>> -> memref<1x80x128xi32, #tpu.memory_space<hbm>>
      %dma_wait3A_27 = tpu.memref_squeeze %dma_wait3A_26 : memref<1x80x128xi32, #tpu.memory_space<hbm>> -> memref<80x128xi32, #tpu.memory_space<hbm>>
      %dma_wait3A_28 = arith.constant 0 : i32
      %dma_wait3A_29 = arith.constant 0 : i32
      %dma_wait3A_30 = tpu.memref_slice %arg3[%add3A, %dma_wait3A_28, %dma_wait3A_29] : memref<32x80x128xi32, #tpu.memory_space<hbm>> -> memref<1x80x128xi32, #tpu.memory_space<hbm>>
      %dma_wait3A_31 = tpu.memref_squeeze %dma_wait3A_30 : memref<1x80x128xi32, #tpu.memory_space<hbm>> -> memref<80x128xi32, #tpu.memory_space<hbm>>
      tpu.wait_dma2 semaphore(%run_scoped3A : memref<!tpu.dma_semaphore, #tpu.memory_space<semaphore_mem>>) src(%dma_wait3A_31 : memref<80x128xi32, #tpu.memory_space<hbm>>) dst(%arg8 : memref<80x128xi32, #tpu.memory_space<vmem>>)
      tpu.yield
    }) : () -> ()
    %mul3A_1 = arith.constant 632 : i32
    %mul3A_2 = arith.muli %arg1, %mul3A_1 : i32
    "tpu.region"() ({
      %run_scoped3A = tpu.sem_alloc : memref<!tpu.dma_semaphore, #tpu.memory_space<semaphore_mem>>
      %dma_start3A = arith.constant 0 : i32
      %dma_start3A_18 = tpu.memref_slice %arg11[%mul3A_2, %dma_start3A] : memref<10112x64xf32, #tpu.memory_space<vmem_shared>> -> memref<632x64xf32, #tpu.memory_space<vmem_shared>>
      tpu.enqueue_dma source(%arg5 : memref<632x64xf32, #tpu.memory_space<hbm>>) target(%dma_start3A_18 : memref<632x64xf32, #tpu.memory_space<vmem_shared>>) target_semaphore(%run_scoped3A : memref<!tpu.dma_semaphore, #tpu.memory_space<semaphore_mem>>)
      %dma_wait3A = arith.constant 0 : i32
      %dma_wait3A_19 = tpu.memref_slice %arg11[%mul3A_2, %dma_wait3A] : memref<10112x64xf32, #tpu.memory_space<vmem_shared>> -> memref<632x64xf32, #tpu.memory_space<vmem_shared>>
      tpu.wait_dma2 semaphore(%run_scoped3A : memref<!tpu.dma_semaphore, #tpu.memory_space<semaphore_mem>>) src(%arg5 : memref<632x64xf32, #tpu.memory_space<hbm>>) dst(%dma_wait3A_19 : memref<632x64xf32, #tpu.memory_space<vmem_shared>>)
      tpu.yield
    }) : () -> ()
    %lt3A = arith.constant 15 : i32
    %lt3A_3 = arith.cmpi slt, %arg1, %lt3A : i32
    %convert_element_type3A = arith.extui %lt3A_3 : i1 to i32
    %cond3A = arith.constant 0 : i32
    %cond3A_4 = arith.cmpi ne, %convert_element_type3A, %cond3A : i32
    scf.if %cond3A_4 {
      %mul3A_18 = arith.constant 632 : i32
      %mul3A_19 = arith.muli %arg1, %mul3A_18 : i32
      %mul3A_20 = arith.constant 632 : i32
      %mul3A_21 = arith.muli %arg1, %mul3A_20 : i32
      "tpu.region"() ({
        %run_scoped3A = tpu.sem_alloc : memref<!tpu.dma_semaphore, #tpu.memory_space<semaphore_mem>>
        %dma_start3A = arith.constant 0 : i32
        %dma_start3A_22 = tpu.memref_slice %arg10[%mul3A_21, %dma_start3A] : memref<10000x64xf32, #tpu.memory_space<vmem_shared>> -> memref<632x64xf32, #tpu.memory_space<vmem_shared>>
        %dma_start3A_23 = arith.constant 0 : i32
        %dma_start3A_24 = tpu.memref_slice %arg4[%mul3A_19, %dma_start3A_23] : memref<10000x64xf32, #tpu.memory_space<hbm>> -> memref<632x64xf32, #tpu.memory_space<hbm>>
        tpu.enqueue_dma source(%dma_start3A_24 : memref<632x64xf32, #tpu.memory_space<hbm>>) target(%dma_start3A_22 : memref<632x64xf32, #tpu.memory_space<vmem_shared>>) target_semaphore(%run_scoped3A : memref<!tpu.dma_semaphore, #tpu.memory_space<semaphore_mem>>)
        %dma_wait3A = arith.constant 0 : i32
        %dma_wait3A_25 = tpu.memref_slice %arg10[%mul3A_21, %dma_wait3A] : memref<10000x64xf32, #tpu.memory_space<vmem_shared>> -> memref<632x64xf32, #tpu.memory_space<vmem_shared>>
        %dma_wait3A_26 = arith.constant 0 : i32
        %dma_wait3A_27 = tpu.memref_slice %arg4[%mul3A_19, %dma_wait3A_26] : memref<10000x64xf32, #tpu.memory_space<hbm>> -> memref<632x64xf32, #tpu.memory_space<hbm>>
        tpu.wait_dma2 semaphore(%run_scoped3A : memref<!tpu.dma_semaphore, #tpu.memory_space<semaphore_mem>>) src(%dma_wait3A_27 : memref<632x64xf32, #tpu.memory_space<hbm>>) dst(%dma_wait3A_25 : memref<632x64xf32, #tpu.memory_space<vmem_shared>>)
        tpu.yield
      }) : () -> ()
    } else {
    }
    %eq3A = arith.constant 15 : i32
    %eq3A_5 = arith.cmpi eq, %arg1, %eq3A : i32
    %convert_element_type3A_6 = arith.extui %eq3A_5 : i1 to i32
    %cond3A_7 = arith.constant 0 : i32
    %cond3A_8 = arith.cmpi ne, %convert_element_type3A_6, %cond3A_7 : i32
    scf.if %cond3A_8 {
      "tpu.region"() ({
        %run_scoped3A = tpu.sem_alloc : memref<!tpu.dma_semaphore, #tpu.memory_space<semaphore_mem>>
        %dma_start3A = arith.constant 9480 : i32
        %dma_start3A_18 = arith.constant 0 : i32
        %dma_start3A_19 = tpu.memref_slice %arg10[%dma_start3A, %dma_start3A_18] : memref<10000x64xf32, #tpu.memory_space<vmem_shared>> -> memref<520x64xf32, #tpu.memory_space<vmem_shared>>
        %dma_start3A_20 = arith.constant 9480 : i32
        %dma_start3A_21 = arith.constant 0 : i32
        %dma_start3A_22 = tpu.memref_slice %arg4[%dma_start3A_20, %dma_start3A_21] : memref<10000x64xf32, #tpu.memory_space<hbm>> -> memref<520x64xf32, #tpu.memory_space<hbm>>
        tpu.enqueue_dma source(%dma_start3A_22 : memref<520x64xf32, #tpu.memory_space<hbm>>) target(%dma_start3A_19 : memref<520x64xf32, #tpu.memory_space<vmem_shared>>) target_semaphore(%run_scoped3A : memref<!tpu.dma_semaphore, #tpu.memory_space<semaphore_mem>>)
        %dma_wait3A = arith.constant 9480 : i32
        %dma_wait3A_23 = arith.constant 0 : i32
        %dma_wait3A_24 = tpu.memref_slice %arg10[%dma_wait3A, %dma_wait3A_23] : memref<10000x64xf32, #tpu.memory_space<vmem_shared>> -> memref<520x64xf32, #tpu.memory_space<vmem_shared>>
        %dma_wait3A_25 = arith.constant 9480 : i32
        %dma_wait3A_26 = arith.constant 0 : i32
        %dma_wait3A_27 = tpu.memref_slice %arg4[%dma_wait3A_25, %dma_wait3A_26] : memref<10000x64xf32, #tpu.memory_space<hbm>> -> memref<520x64xf32, #tpu.memory_space<hbm>>
        tpu.wait_dma2 semaphore(%run_scoped3A : memref<!tpu.dma_semaphore, #tpu.memory_space<semaphore_mem>>) src(%dma_wait3A_27 : memref<520x64xf32, #tpu.memory_space<hbm>>) dst(%dma_wait3A_24 : memref<520x64xf32, #tpu.memory_space<vmem_shared>>)
        tpu.yield
      }) : () -> ()
    } else {
    }
    %barrier3A = arith.constant 0 : index
    tpu.barrier barrier_id(%barrier3A)
    %scan3A = arith.constant 0 : i32
    %scan3A_9 = arith.constant 80 : i32
    %scan3A_10 = arith.addi %scan3A, %scan3A_9 : i32
    %scan3A_11 = arith.constant 1 : i32
    scf.for %scan3A_18 = %scan3A to %scan3A_10 step %scan3A_11  : i32 {
      %mul3A_19 = arith.constant 1 : i32
      %mul3A_20 = arith.muli %scan3A_18, %mul3A_19 : i32
      %add3A_21 = arith.constant 0 : i32
      %add3A_22 = arith.addi %add3A_21, %mul3A_20 : i32
      "tpu.region"() ({
        %run_scoped3A = tpu.sem_alloc : memref<!tpu.dma_semaphore, #tpu.memory_space<semaphore_mem>>
        %dma_start3A = arith.constant 0 : i32
        %dma_start3A_23 = tpu.memref_slice %arg7[%add3A_22, %dma_start3A] : memref<80x128xi32, #tpu.memory_space<vmem>> -> memref<1x128xi32, #tpu.memory_space<vmem>>
        %dma_start3A_24 = tpu.memref_squeeze %dma_start3A_23 : memref<1x128xi32, #tpu.memory_space<vmem>> -> memref<128xi32, #tpu.memory_space<vmem>>
        %dma_start3A_25 = arith.constant 0 : i32
        %dma_start3A_26 = arith.constant 0 : i32
        %dma_start3A_27 = tpu.memref_slice %arg10[%dma_start3A_25, %dma_start3A_26] : memref<10000x64xf32, #tpu.memory_space<vmem_shared>> -> memref<10000x64xf32, #tpu.memory_space<vmem_shared>>
        tpu.enqueue_indirect_dma source(%dma_start3A_27 : memref<10000x64xf32, #tpu.memory_space<vmem_shared>>) target(%arg9 : memref<128x64xf32, #tpu.memory_space<vmem>>) offsets(%dma_start3A_24 : memref<128xi32, #tpu.memory_space<vmem>>) semaphore(%run_scoped3A : memref<!tpu.dma_semaphore, #tpu.memory_space<semaphore_mem>>)
        %dma_wait3A = arith.constant 0 : i32
        %dma_wait3A_28 = tpu.memref_slice %arg7[%add3A_22, %dma_wait3A] : memref<80x128xi32, #tpu.memory_space<vmem>> -> memref<1x128xi32, #tpu.memory_space<vmem>>
        %dma_wait3A_29 = tpu.memref_squeeze %dma_wait3A_28 : memref<1x128xi32, #tpu.memory_space<vmem>> -> memref<128xi32, #tpu.memory_space<vmem>>
        %dma_wait3A_30 = arith.constant 0 : i32
        %dma_wait3A_31 = arith.constant 0 : i32
        %dma_wait3A_32 = tpu.memref_slice %arg10[%dma_wait3A_30, %dma_wait3A_31] : memref<10000x64xf32, #tpu.memory_space<vmem_shared>> -> memref<10000x64xf32, #tpu.memory_space<vmem_shared>>
        tpu.wait_indirect_dma semaphore(%run_scoped3A : memref<!tpu.dma_semaphore, #tpu.memory_space<semaphore_mem>>) src(%dma_wait3A_32 : memref<10000x64xf32, #tpu.memory_space<vmem_shared>>) dst(%arg9 : memref<128x64xf32, #tpu.memory_space<vmem>>)
        tpu.yield
      }) : () -> ()
      "tpu.region"() ({
        %run_scoped3A = tpu.sem_alloc : memref<!tpu.dma_semaphore, #tpu.memory_space<semaphore_mem>>
        %dma_start3A = arith.constant 0 : i32
        %dma_start3A_23 = tpu.memref_slice %arg8[%add3A_22, %dma_start3A] : memref<80x128xi32, #tpu.memory_space<vmem>> -> memref<1x128xi32, #tpu.memory_space<vmem>>
        %dma_start3A_24 = tpu.memref_squeeze %dma_start3A_23 : memref<1x128xi32, #tpu.memory_space<vmem>> -> memref<128xi32, #tpu.memory_space<vmem>>
        %dma_start3A_25 = arith.constant 0 : i32
        %dma_start3A_26 = arith.constant 0 : i32
        %dma_start3A_27 = tpu.memref_slice %arg11[%dma_start3A_25, %dma_start3A_26] : memref<10112x64xf32, #tpu.memory_space<vmem_shared>> -> memref<10112x64xf32, #tpu.memory_space<vmem_shared>>
        tpu.enqueue_indirect_dma source(%arg9 : memref<128x64xf32, #tpu.memory_space<vmem>>) target(%dma_start3A_27 : memref<10112x64xf32, #tpu.memory_space<vmem_shared>>) offsets(%dma_start3A_24 : memref<128xi32, #tpu.memory_space<vmem>>) semaphore(%run_scoped3A : memref<!tpu.dma_semaphore, #tpu.memory_space<semaphore_mem>>) {add = true}
        %dma_wait3A = arith.constant 0 : i32
        %dma_wait3A_28 = tpu.memref_slice %arg8[%add3A_22, %dma_wait3A] : memref<80x128xi32, #tpu.memory_space<vmem>> -> memref<1x128xi32, #tpu.memory_space<vmem>>
        %dma_wait3A_29 = tpu.memref_squeeze %dma_wait3A_28 : memref<1x128xi32, #tpu.memory_space<vmem>> -> memref<128xi32, #tpu.memory_space<vmem>>
        %dma_wait3A_30 = arith.constant 0 : i32
        %dma_wait3A_31 = arith.constant 0 : i32
        %dma_wait3A_32 = tpu.memref_slice %arg11[%dma_wait3A_30, %dma_wait3A_31] : memref<10112x64xf32, #tpu.memory_space<vmem_shared>> -> memref<10112x64xf32, #tpu.memory_space<vmem_shared>>
        tpu.wait_indirect_dma semaphore(%run_scoped3A : memref<!tpu.dma_semaphore, #tpu.memory_space<semaphore_mem>>) src(%arg9 : memref<128x64xf32, #tpu.memory_space<vmem>>) dst(%dma_wait3A_32 : memref<10112x64xf32, #tpu.memory_space<vmem_shared>>)
        tpu.yield
      }) : () -> ()
    }
    %scan3A_12 = arith.constant 80 : i32
    %barrier3A_13 = arith.constant 0 : index
    tpu.barrier barrier_id(%barrier3A_13)
    %mul3A_14 = arith.constant 632 : i32
    %mul3A_15 = arith.muli %arg1, %mul3A_14 : i32
    %mul3A_16 = arith.constant 632 : i32
    %mul3A_17 = arith.muli %arg1, %mul3A_16 : i32
    "tpu.region"() ({
      %run_scoped3A = tpu.sem_alloc : memref<!tpu.dma_semaphore, #tpu.memory_space<semaphore_mem>>
      %dma_start3A = arith.constant 0 : i32
      %dma_start3A_18 = tpu.memref_slice %arg6[%arg0, %mul3A_17, %dma_start3A] : memref<2x10112x64xf32, #tpu.memory_space<hbm>> -> memref<1x632x64xf32, #tpu.memory_space<hbm>>
      %dma_start3A_19 = tpu.memref_squeeze %dma_start3A_18 : memref<1x632x64xf32, #tpu.memory_space<hbm>> -> memref<632x64xf32, #tpu.memory_space<hbm>>
      %dma_start3A_20 = arith.constant 0 : i32
      %dma_start3A_21 = tpu.memref_slice %arg11[%mul3A_15, %dma_start3A_20] : memref<10112x64xf32, #tpu.memory_space<vmem_shared>> -> memref<632x64xf32, #tpu.memory_space<vmem_shared>>
      tpu.enqueue_dma source(%dma_start3A_21 : memref<632x64xf32, #tpu.memory_space<vmem_shared>>) target(%dma_start3A_19 : memref<632x64xf32, #tpu.memory_space<hbm>>) target_semaphore(%run_scoped3A : memref<!tpu.dma_semaphore, #tpu.memory_space<semaphore_mem>>)
      %dma_wait3A = arith.constant 0 : i32
      %dma_wait3A_22 = tpu.memref_slice %arg6[%arg0, %mul3A_17, %dma_wait3A] : memref<2x10112x64xf32, #tpu.memory_space<hbm>> -> memref<1x632x64xf32, #tpu.memory_space<hbm>>
      %dma_wait3A_23 = tpu.memref_squeeze %dma_wait3A_22 : memref<1x632x64xf32, #tpu.memory_space<hbm>> -> memref<632x64xf32, #tpu.memory_space<hbm>>
      %dma_wait3A_24 = arith.constant 0 : i32
      %dma_wait3A_25 = tpu.memref_slice %arg11[%mul3A_15, %dma_wait3A_24] : memref<10112x64xf32, #tpu.memory_space<vmem_shared>> -> memref<632x64xf32, #tpu.memory_space<vmem_shared>>
      tpu.wait_dma2 semaphore(%run_scoped3A : memref<!tpu.dma_semaphore, #tpu.memory_space<semaphore_mem>>) src(%dma_wait3A_25 : memref<632x64xf32, #tpu.memory_space<vmem_shared>>) dst(%dma_wait3A_23 : memref<632x64xf32, #tpu.memory_space<hbm>>)
      tpu.yield
    }) : () -> ()
    return
  }
}

module attributes {stable_mosaic.version = 14 : i64} {
  func.func @_mm_body(%arg0: memref<10000x128xf32, #tpu.memory_space<vmem>>, %arg1: memref<128x64xf32, #tpu.memory_space<vmem>>, %arg2: memref<10000x64xf32, #tpu.memory_space<vmem>>) attributes {dimension_semantics = [], scalar_prefetch = 0 : i64, scratch_operands = 0 : i64, tpu.core_type = #tpu.core_type<tc>} {
    %get3A = arith.constant 0 : index
    %get3A_0 = arith.constant 0 : index
    %get3A_1 = vector.load %arg0[%get3A, %get3A_0] : memref<10000x128xf32, #tpu.memory_space<vmem>>, vector<10000x128xf32>
    %get3A_2 = arith.constant 0 : index
    %get3A_3 = arith.constant 0 : index
    %get3A_4 = vector.load %arg1[%get3A_2, %get3A_3] : memref<128x64xf32, #tpu.memory_space<vmem>>, vector<128x64xf32>
    %dot_general3A = arith.constant dense<0.000000e+00> : vector<10000x64xf32>
    %dot_general3A_5 = tpu.matmul %get3A_1, %get3A_4, %dot_general3A {dimension_numbers = #tpu.dot_dimension_numbers<[1], [0], [0], [1], [0, 0, 1, 1], [], []>, transpose_lhs_hint = false} : vector<10000x128xf32>, vector<128x64xf32>, vector<10000x64xf32> -> vector<10000x64xf32>
    %swap3A = arith.constant 0 : index
    %swap3A_6 = arith.constant 0 : index
    %swap3A_7 = vector.load %arg2[%swap3A, %swap3A_6] : memref<10000x64xf32, #tpu.memory_space<vmem>>, vector<10000x64xf32>
    tpu.vector_store %arg2[%swap3A, %swap3A_6], %dot_general3A_5 {strides = array<i32>} : memref<10000x64xf32, #tpu.memory_space<vmem>>, vector<10000x64xf32>,
    return
  }
}

module attributes {stable_mosaic.version = 14 : i64} {
  func.func @prep_body(%arg0: memref<2x10112x16xf32, #tpu.memory_space<vmem>>, %arg1: memref<10000x64xf32, #tpu.memory_space<vmem>>, %arg2: memref<10000x64xf32, #tpu.memory_space<vmem>>, %arg3: memref<10000x64xf32, #tpu.memory_space<vmem>>) attributes {dimension_semantics = [], scalar_prefetch = 0 : i64, scratch_operands = 0 : i64, tpu.core_type = #tpu.core_type<tc>} {
    %get3A = arith.constant 0 : index
    %get3A_0 = arith.constant 0 : index
    %get3A_1 = arith.constant 0 : index
    %get3A_2 = vector.load %arg0[%get3A, %get3A_0, %get3A_1] : memref<2x10112x16xf32, #tpu.memory_space<vmem>>, vector<1x10112x16xf32>
    %get3A_3 = vector.shape_cast %get3A_2 : vector<1x10112x16xf32> to vector<10112x16xf32>
    %add3A = arith.constant 1.000000e+00 : f32
    %add3A_4 = vector.broadcast %add3A : f32 to vector<10112x16xf32>
    %add3A_5 = arith.addf %add3A_4, %get3A_3 : vector<10112x16xf32>
    %get3A_6 = arith.constant 1 : index
    %get3A_7 = arith.constant 0 : index
    %get3A_8 = arith.constant 0 : index
    %get3A_9 = vector.load %arg0[%get3A_6, %get3A_7, %get3A_8] : memref<2x10112x16xf32, #tpu.memory_space<vmem>>, vector<1x10112x16xf32>
    %get3A_10 = vector.shape_cast %get3A_9 : vector<1x10112x16xf32> to vector<10112x16xf32>
    %add3A_11 = arith.addf %add3A_5, %get3A_10 : vector<10112x16xf32>
    %rsqrt3A = math.rsqrt %add3A_11 : vector<10112x16xf32>
    %slice3A = vector.extract_strided_slice %rsqrt3A {offsets = [0, 0], sizes = [10000, 1], strides = [1, 1]} : vector<10112x16xf32> to vector<10000x1xf32>
    %broadcast_in_dim3A = vector.shape_cast %slice3A : vector<10000x1xf32> to vector<10000x1xf32>
    %broadcast_in_dim3A_12 = vector.broadcast %broadcast_in_dim3A : vector<10000x1xf32> to vector<10000x64xf32>
    %swap3A = arith.constant 0 : index
    %swap3A_13 = arith.constant 0 : index
    %swap3A_14 = vector.load %arg3[%swap3A, %swap3A_13] : memref<10000x64xf32, #tpu.memory_space<vmem>>, vector<10000x64xf32>
    tpu.vector_store %arg3[%swap3A, %swap3A_13], %broadcast_in_dim3A_12 {strides = array<i32>} : memref<10000x64xf32, #tpu.memory_space<vmem>>, vector<10000x64xf32>,
    %get3A_15 = arith.constant 0 : index
    %get3A_16 = arith.constant 0 : index
    %get3A_17 = vector.load %arg1[%get3A_15, %get3A_16] : memref<10000x64xf32, #tpu.memory_space<vmem>>, vector<10000x64xf32>
    %mul3A = arith.mulf %get3A_17, %broadcast_in_dim3A_12 : vector<10000x64xf32>
    %swap3A_18 = arith.constant 0 : index
    %swap3A_19 = arith.constant 0 : index
    %swap3A_20 = vector.load %arg2[%swap3A_18, %swap3A_19] : memref<10000x64xf32, #tpu.memory_space<vmem>>, vector<10000x64xf32>
    tpu.vector_store %arg2[%swap3A_18, %swap3A_19], %mul3A {strides = array<i32>} : memref<10000x64xf32, #tpu.memory_space<vmem>>, vector<10000x64xf32>,
    return
  }
}

module attributes {stable_mosaic.version = 14 : i64} {
  func.func @post_body(%arg0: memref<2x10112x64xf32, #tpu.memory_space<vmem>>, %arg1: memref<10000x64xf32, #tpu.memory_space<vmem>>, %arg2: memref<10000x64xf32, #tpu.memory_space<vmem>>, %arg3: memref<1x64xf32, #tpu.memory_space<vmem>>, %arg4: memref<64x64xf32, #tpu.memory_space<vmem>>, %arg5: memref<10000x64xf32, #tpu.memory_space<vmem>>, %arg6: memref<10000x64xf32, #tpu.memory_space<vmem>>) attributes {dimension_semantics = [], scalar_prefetch = 0 : i64, scratch_operands = 0 : i64, tpu.core_type = #tpu.core_type<tc>} {
    %get3A = arith.constant 0 : index
    %get3A_0 = arith.constant 0 : index
    %get3A_1 = arith.constant 0 : index
    %get3A_2 = vector.load %arg0[%get3A, %get3A_0, %get3A_1] : memref<2x10112x64xf32, #tpu.memory_space<vmem>>, vector<1x10112x64xf32>
    %get3A_3 = vector.shape_cast %get3A_2 : vector<1x10112x64xf32> to vector<10112x64xf32>
    %slice3A = vector.extract_strided_slice %get3A_3 {offsets = [0, 0], sizes = [10000, 64], strides = [1, 1]} : vector<10112x64xf32> to vector<10000x64xf32>
    %get3A_4 = arith.constant 1 : index
    %get3A_5 = arith.constant 0 : index
    %get3A_6 = arith.constant 0 : index
    %get3A_7 = vector.load %arg0[%get3A_4, %get3A_5, %get3A_6] : memref<2x10112x64xf32, #tpu.memory_space<vmem>>, vector<1x10112x64xf32>
    %get3A_8 = vector.shape_cast %get3A_7 : vector<1x10112x64xf32> to vector<10112x64xf32>
    %slice3A_9 = vector.extract_strided_slice %get3A_8 {offsets = [0, 0], sizes = [10000, 64], strides = [1, 1]} : vector<10112x64xf32> to vector<10000x64xf32>
    %add3A = arith.addf %slice3A, %slice3A_9 : vector<10000x64xf32>
    %get3A_10 = arith.constant 0 : index
    %get3A_11 = arith.constant 0 : index
    %get3A_12 = vector.load %arg1[%get3A_10, %get3A_11] : memref<10000x64xf32, #tpu.memory_space<vmem>>, vector<10000x64xf32>
    %get3A_13 = arith.constant 0 : index
    %get3A_14 = arith.constant 0 : index
    %get3A_15 = vector.load %arg2[%get3A_13, %get3A_14] : memref<10000x64xf32, #tpu.memory_space<vmem>>, vector<10000x64xf32>
    %mul3A = arith.mulf %get3A_12, %add3A : vector<10000x64xf32>
    %mul3A_16 = arith.mulf %get3A_12, %get3A_12 : vector<10000x64xf32>
    %mul3A_17 = arith.mulf %mul3A_16, %get3A_15 : vector<10000x64xf32>
    %add3A_18 = arith.addf %mul3A, %mul3A_17 : vector<10000x64xf32>
    %get3A_19 = arith.constant 0 : index
    %get3A_20 = arith.constant 0 : index
    %get3A_21 = vector.load %arg3[%get3A_19, %get3A_20] : memref<1x64xf32, #tpu.memory_space<vmem>>, vector<1x64xf32>
    %add3A_22 = vector.broadcast %get3A_21 : vector<1x64xf32> to vector<10000x64xf32>
    %add3A_23 = arith.addf %add3A_18, %add3A_22 : vector<10000x64xf32>
    %max3A = arith.constant 0.000000e+00 : f32
    %max3A_24 = vector.broadcast %max3A : f32 to vector<10000x64xf32>
    %max3A_25 = arith.maximumf %add3A_23, %max3A_24 : vector<10000x64xf32>
    %get3A_26 = arith.constant 0 : index
    %get3A_27 = arith.constant 0 : index
    %get3A_28 = vector.load %arg4[%get3A_26, %get3A_27] : memref<64x64xf32, #tpu.memory_space<vmem>>, vector<64x64xf32>
    %dot_general3A = arith.constant dense<0.000000e+00> : vector<10000x64xf32>
    %dot_general3A_29 = tpu.matmul %max3A_25, %get3A_28, %dot_general3A {dimension_numbers = #tpu.dot_dimension_numbers<[1], [0], [0], [1], [0, 0, 1, 1], [], []>, transpose_lhs_hint = false} : vector<10000x64xf32>, vector<64x64xf32>, vector<10000x64xf32> -> vector<10000x64xf32>
    %swap3A = arith.constant 0 : index
    %swap3A_30 = arith.constant 0 : index
    %swap3A_31 = vector.load %arg5[%swap3A, %swap3A_30] : memref<10000x64xf32, #tpu.memory_space<vmem>>, vector<10000x64xf32>
    tpu.vector_store %arg5[%swap3A, %swap3A_30], %dot_general3A_29 {strides = array<i32>} : memref<10000x64xf32, #tpu.memory_space<vmem>>, vector<10000x64xf32>,
    %mul3A_32 = arith.mulf %dot_general3A_29, %get3A_12 : vector<10000x64xf32>
    %swap3A_33 = arith.constant 0 : index
    %swap3A_34 = arith.constant 0 : index
    %swap3A_35 = vector.load %arg6[%swap3A_33, %swap3A_34] : memref<10000x64xf32, #tpu.memory_space<vmem>>, vector<10000x64xf32>
    tpu.vector_store %arg6[%swap3A_33, %swap3A_34], %mul3A_32 {strides = array<i32>} : memref<10000x64xf32, #tpu.memory_space<vmem>>, vector<10000x64xf32>,
    return
  }
}

module attributes {stable_mosaic.version = 14 : i64} {
  func.func @post_final_body(%arg0: memref<2x10112x64xf32, #tpu.memory_space<vmem>>, %arg1: memref<10000x64xf32, #tpu.memory_space<vmem>>, %arg2: memref<10000x64xf32, #tpu.memory_space<vmem>>, %arg3: memref<1x64xf32, #tpu.memory_space<vmem>>, %arg4: memref<64x128xf32, #tpu.memory_space<vmem>>, %arg5: memref<1x128xf32, #tpu.memory_space<vmem>>, %arg6: memref<10000x128xf32, #tpu.memory_space<vmem>>) attributes {dimension_semantics = [], scalar_prefetch = 0 : i64, scratch_operands = 0 : i64, tpu.core_type = #tpu.core_type<tc>} {
    %get3A = arith.constant 0 : index
    %get3A_0 = arith.constant 0 : index
    %get3A_1 = arith.constant 0 : index
    %get3A_2 = vector.load %arg0[%get3A, %get3A_0, %get3A_1] : memref<2x10112x64xf32, #tpu.memory_space<vmem>>, vector<1x10112x64xf32>
    %get3A_3 = vector.shape_cast %get3A_2 : vector<1x10112x64xf32> to vector<10112x64xf32>
    %slice3A = vector.extract_strided_slice %get3A_3 {offsets = [0, 0], sizes = [10000, 64], strides = [1, 1]} : vector<10112x64xf32> to vector<10000x64xf32>
    %get3A_4 = arith.constant 1 : index
    %get3A_5 = arith.constant 0 : index
    %get3A_6 = arith.constant 0 : index
    %get3A_7 = vector.load %arg0[%get3A_4, %get3A_5, %get3A_6] : memref<2x10112x64xf32, #tpu.memory_space<vmem>>, vector<1x10112x64xf32>
    %get3A_8 = vector.shape_cast %get3A_7 : vector<1x10112x64xf32> to vector<10112x64xf32>
    %slice3A_9 = vector.extract_strided_slice %get3A_8 {offsets = [0, 0], sizes = [10000, 64], strides = [1, 1]} : vector<10112x64xf32> to vector<10000x64xf32>
    %add3A = arith.addf %slice3A, %slice3A_9 : vector<10000x64xf32>
    %get3A_10 = arith.constant 0 : index
    %get3A_11 = arith.constant 0 : index
    %get3A_12 = vector.load %arg1[%get3A_10, %get3A_11] : memref<10000x64xf32, #tpu.memory_space<vmem>>, vector<10000x64xf32>
    %get3A_13 = arith.constant 0 : index
    %get3A_14 = arith.constant 0 : index
    %get3A_15 = vector.load %arg2[%get3A_13, %get3A_14] : memref<10000x64xf32, #tpu.memory_space<vmem>>, vector<10000x64xf32>
    %mul3A = arith.mulf %get3A_12, %add3A : vector<10000x64xf32>
    %mul3A_16 = arith.mulf %get3A_12, %get3A_12 : vector<10000x64xf32>
    %mul3A_17 = arith.mulf %mul3A_16, %get3A_15 : vector<10000x64xf32>
    %add3A_18 = arith.addf %mul3A, %mul3A_17 : vector<10000x64xf32>
    %get3A_19 = arith.constant 0 : index
    %get3A_20 = arith.constant 0 : index
    %get3A_21 = vector.load %arg3[%get3A_19, %get3A_20] : memref<1x64xf32, #tpu.memory_space<vmem>>, vector<1x64xf32>
    %add3A_22 = vector.broadcast %get3A_21 : vector<1x64xf32> to vector<10000x64xf32>
    %add3A_23 = arith.addf %add3A_18, %add3A_22 : vector<10000x64xf32>
    %max3A = arith.constant 0.000000e+00 : f32
    %max3A_24 = vector.broadcast %max3A : f32 to vector<10000x64xf32>
    %max3A_25 = arith.maximumf %add3A_23, %max3A_24 : vector<10000x64xf32>
    %get3A_26 = arith.constant 0 : index
    %get3A_27 = arith.constant 0 : index
    %get3A_28 = vector.load %arg4[%get3A_26, %get3A_27] : memref<64x128xf32, #tpu.memory_space<vmem>>, vector<64x128xf32>
    %dot_general3A = arith.constant dense<0.000000e+00> : vector<10000x128xf32>
    %dot_general3A_29 = tpu.matmul %max3A_25, %get3A_28, %dot_general3A {dimension_numbers = #tpu.dot_dimension_numbers<[1], [0], [0], [1], [0, 0, 1, 1], [], []>, transpose_lhs_hint = false} : vector<10000x64xf32>, vector<64x128xf32>, vector<10000x128xf32> -> vector<10000x128xf32>
    %get3A_30 = arith.constant 0 : index
    %get3A_31 = arith.constant 0 : index
    %get3A_32 = vector.load %arg5[%get3A_30, %get3A_31] : memref<1x128xf32, #tpu.memory_space<vmem>>, vector<1x128xf32>
    %add3A_33 = vector.broadcast %get3A_32 : vector<1x128xf32> to vector<10000x128xf32>
    %add3A_34 = arith.addf %dot_general3A_29, %add3A_33 : vector<10000x128xf32>
    %swap3A = arith.constant 0 : index
    %swap3A_35 = arith.constant 0 : index
    %swap3A_36 = vector.load %arg6[%swap3A, %swap3A_35] : memref<10000x128xf32, #tpu.memory_space<vmem>>, vector<10000x128xf32>
    tpu.vector_store %arg6[%swap3A, %swap3A_35], %add3A_34 {strides = array<i32>} : memref<10000x128xf32, #tpu.memory_space<vmem>>, vector<10000x128xf32>,
    return
  }
}

</mosaic_0001>

<sc_bundles>
// kernel: kernel.12.cloned.1.call-start
scs
__scs_entry_jumppad:
0x0: {  	(pc) =	sbr.rel $0x88, $3  }
0x1: {  	(tag) =	ssettag $0x0;
	lr =	simm.s32 $0x1  }
0x2: {  	[smem:$0x3F99] =	sst lr;
	_ =	strace $0xD0000000  }
0x3: {  	_ = 	snop  }
0x4: {  	_ = 	snop  }
0x5: {  	_ = 	snop  }
0x6: {  	_ = 	snop  }
0x7: {  	_ = 	snop  }
__scs_overlays_trampoline_lowered:
0x8: {  	[smem:$0x3FA8] =	sst s0  }
0x9: {  	[smem:$0x3FA9] =	sst s1  }
0xa: {  	[smem:$0x3FAA] =	sst s2  }
0xb: {  	[smem:$0x3FAB] =	sst s3  }
0xc: {  	[smem:$0x3FAC] =	sst s4  }
0xd: {  	[smem:$0x3FAD] =	sst s5  }
0xe: {  	[smem:$0x3FAE] =	sst s6  }
0xf: {  	[smem:$0x3FAF] =	sst s7  }
0x10: {  	[smem:$0x3FB0] =	sst s8  }
0x11: {  	[smem:$0x3FB1] =	sst s9;
	s0 =	simm.s32 @!p0 $0x0  }
0x12: {  	s1 =	sld [smem:$0x3F97];
	s0 =	simm.s32 @p0 $0x1  }
0x13: {  	[smem:$0x3FB2] =	sst s0;
	s0 =	simm.s32 @!p1 $0x0  }
0x14: {  	s2 =	sld [smem:$0x3F96];
	s0 =	simm.s32 @p1 $0x1  }
0x15: {  	[smem:$0x3FB3] =	sst s0;
	s0 =	simm.s32 @!p2 $0x0  }
0x16: {  	s3 =	sld [smem:$0x3FDB];
	s0 =	simm.s32 @p2 $0x1  }
0x17: {  	s4 =	simm.s32 $0x1BF5;
	[smem:$0x3FB5] =	sst s0  }
0x18: {  	s0 =	sld [smem:$0x3F98];
	_ =	swait.ge [sflag:s4], $0x0  }
0x19: {  	s7 =	sld [smem:$0x3F99]  }
0x1a: {  	s8 =	sadd.s32 $0xFFFFE003, lr  }
0x1b: {  	s9 =	sadd.s32 $0xFFFFFEF7, lr;
	s5 =	simm.s32 $0xFFFFFFFF;
	p2 =	slt.u32 s8, $0xFFFFF086  }
0x1c: {  	p1 =	slt.u32 s9, $0xF7A;
	s5 =	simm.s32 @!p2 $0x0  }
0x1d: {  	s5 =	simm.s32 @p1 $0x1;
	p0 =	seq.s32 s7, s2  }
0x1e: {  	s7 =	smul.u32 @!p0 $0xF7A, s2;
	p2 =	seq.s32 @!p0 s5, $0x0  }
0x1f: {  	s9 =	smul.u32 $0xF7A, s1;
	s8 =	simm.s32 @!p0 $0x1BF5;
	p2 =	por !p2, p0  }
0x20: {  	[sflag:s8] =	ssyncset.s32 @!p0 $0xFFFFF086;
	s6 =	sadd.s32 @!p0 s3, s7;
	s7 =	simm.s32 @!p0 $0x108  }
0x21: {  	s3 =	sadd.s32 s3, s9;
	s6 =	sadd.s32 @!p0 $0x88, s6;
	s7 =	simm.s32 @p2 $0x1082  }
0x22: {  	[simem:s7], [sflag:s8] =	dma.local @!p0 [hbm:s6], $0xF7A  }
0x23: {  	s9 =	sor.u32 $0xD0000000, s2;
	s6 =	simm.s32 $0x108;
	_ =	swait.ge @!p0 [sflag:s8], $0x0  }
0x24: {  	s3 =	sadd.s32 $0x88, s3;
	s6 =	simm.s32 @!p1 $0x1082;
	[sflag:s4] =	ssyncset.s32 $0xFFFFF086  }
0x25: {  	[simem:s6], [sflag:s4] =	dma.local [hbm:s3], $0xF7A  }
0x26: {  	[smem:$0x3F99] =	sst s1;
	(tag) =	ssettag s2;
	_ =	strace s9  }
0x27: {  	s1 =	sld [smem:$0x3FA9]  }
0x28: {  	s2 =	sld [smem:$0x3FAA]  }
0x29: {  	s4 =	sld [smem:$0x3FAC]  }
0x2a: {  	p0 =	seq.s32 s5, $0x0;
	s5 =	sld [smem:$0x3FAD]  }
0x2b: {  	s6 =	sld [smem:$0x3FAE]  }
0x2c: {  	s7 =	sld [smem:$0x3FAF]  }
0x2d: {  	s3 =	simm.s32 $0x108;
	s8 =	sld [smem:$0x3FB0]  }
0x2e: {  	s3 =	simm.s32 @!p0 $0x1082;
	s9 =	sld [smem:$0x3FB1]  }
0x2f: {  	lr =	sadd.s32 s0, s3;
	s0 =	sld [smem:$0x3FA8]  }
0x30: {  	s3 =	sld [smem:$0x3FAB]  }
0x31: {  	[smem:$0x3FB4] =	sst s10  }
0x32: {  	s10 =	sld [smem:$0x3FB2];
	_ =	sdelay $0x3  }
0x33: {  	p0 =	seq.s32 s10, $0x1;
	s10 =	sld [smem:$0x3FB4];
	_ =	sdelay $0x3  }
0x34: {  	[smem:$0x3FB4] =	sst s10  }
0x35: {  	s10 =	sld [smem:$0x3FB3];
	_ =	sdelay $0x3  }
0x36: {  	p1 =	seq.s32 s10, $0x1;
	s10 =	sld [smem:$0x3FB4];
	_ =	sdelay $0x3  }
0x37: {  	[smem:$0x3FB4] =	sst s10  }
0x38: {  	s10 =	sld [smem:$0x3FB5]  }
0x39: {  	_ = 	snop;
	(pc) =	sbr.ind lr, $3  }
0x3a: {  	_ = 	snop  }
0x3b: {  	_ = 	snop  }
0x3c: {  	p2 =	seq.s32 s10, $0x1;
	s10 =	sld [smem:$0x3FB4]  }
0x3d: {  	_ =	shalt  }
0x3e: {  	_ =	shalt  }
0x3f: {  	_ =	shalt  }
0x40: {  	_ =	shalt  }
0x41: {  	_ =	shalt  }
0x42: {  	_ =	shalt  }
0x43: {  	_ =	shalt  }
0x44: {  	_ =	shalt  }
0x45: {  	_ =	shalt  }
0x46: {  	_ =	shalt  }
0x47: {  	_ =	shalt  }
0x48: {  	_ =	shalt  }
0x49: {  	_ =	shalt  }
0x4a: {  	_ =	shalt  }
0x4b: {  	_ =	shalt  }
0x4c: {  	_ =	shalt  }
0x4d: {  	_ =	shalt  }
0x4e: {  	_ =	shalt  }
0x4f: {  	_ =	shalt  }
0x50: {  	_ =	shalt  }
0x51: {  	_ =	shalt  }
0x52: {  	_ =	shalt  }
0x53: {  	_ =	shalt  }
0x54: {  	_ =	shalt  }
0x55: {  	_ =	shalt  }
0x56: {  	_ =	shalt  }
0x57: {  	_ =	shalt  }
0x58: {  	_ =	shalt  }
0x59: {  	_ =	shalt  }
0x5a: {  	_ =	shalt  }
0x5b: {  	_ =	shalt  }
0x5c: {  	_ =	shalt  }
0x5d: {  	_ =	shalt  }
0x5e: {  	_ =	shalt  }
0x5f: {  	_ =	shalt  }
0x60: {  	_ =	shalt  }
0x61: {  	_ =	shalt  }
0x62: {  	_ =	shalt  }
0x63: {  	_ =	shalt  }
0x64: {  	_ =	shalt  }
0x65: {  	_ =	shalt  }
0x66: {  	_ =	shalt  }
0x67: {  	_ =	shalt  }
0x68: {  	_ =	shalt  }
0x69: {  	_ =	shalt  }
0x6a: {  	_ =	shalt  }
0x6b: {  	_ =	shalt  }
0x6c: {  	_ =	shalt  }
0x6d: {  	_ =	shalt  }
0x6e: {  	_ =	shalt  }
0x6f: {  	_ =	shalt  }
0x70: {  	_ =	shalt  }
0x71: {  	_ =	shalt  }
0x72: {  	_ =	shalt  }
0x73: {  	_ =	shalt  }
0x74: {  	_ =	shalt  }
0x75: {  	_ =	shalt  }
0x76: {  	_ =	shalt  }
0x77: {  	_ =	shalt  }
0x78: {  	_ =	shalt  }
0x79: {  	_ =	shalt  }
0x7a: {  	_ =	shalt  }
0x7b: {  	_ =	shalt  }
0x7c: {  	_ =	shalt  }
0x7d: {  	_ =	shalt  }
0x7e: {  	_ =	shalt  }
0x7f: {  	_ =	shalt  }
0x80: {  	_ =	shalt  }
0x81: {  	_ =	shalt  }
0x82: {  	_ =	shalt  }
0x83: {  	_ =	shalt  }
0x84: {  	_ =	shalt  }
0x85: {  	_ =	shalt  }
0x86: {  	_ =	shalt  }
0x87: {  	_ =	shalt  }
.Lfunc_end0:
.L_simem_size_0:
called_computation.1_lowered:
.L_overlay_start_0:
0x88: {  	s2 =	sld [smem:$0x3FD9]  }
0x89: {  	s3 =	sld [smem:$0x3FFE];
	_ =	sdelay $0x1  }
0x8a: {  	s1 =	srdreg.scid  }
0x8b: {  	s0 =	sand.u32 $0x1, s1  }
0x8c: {  	s17 =	sshll.u32 s0, $0xA;
	s2 =	sadd.s32 s3, s2  }
0x8d: {  	s2 =	sadd.s32 s2, s17  }
0x8e: {  	[smem:$0x3FC0] =	sst s2  }
0x8f: {  	_ = 	snop  }
0x90: {  	s2 =	sld [smem:$0x3FD0];
	(tm) =	ssettm $0x1  }
0x91: {  	s18 =	sld [smem:$0x3FFB];
	_ =	sdelay $0x3  }
0x92: {  	_ =	strace s18  }
0x93: {  	s3 =	sld [smem:$0x3FFC];
	_ =	sdelay $0x3  }
0x94: {  	_ =	strace s3  }
0x95: {  	s3 =	sld [smem:$0x3FFD];
	_ =	sdelay $0x3  }
0x96: {  	_ =	strace s3  }
0x97: {  	_ =	strace $0x8FFFFFFF  }
0x98: {  	s19 =	sld [smem:$0x3FDB];
	_ =	sdelay $0x1  }
0x99: {  	s4 =	simm.s32 $_scs_section_size  }
0x9a: {  	s5 =	simm.s32 $_size__tile_overlayer_lowered;
	s6 =	simm.s32 $_tile_overlayer_lowered  }
0x9b: {  	s22 =	simm.s32 $0x1BFF;
	s21 =	sshll.u32 s6, $0x1;
	s3 =	sadd.s32 s4, s19  }
0x9c: {  	s7 =	simm.s32 $0x0;
	s20 =	sshll.u32 s5, $0x1;
	s5 =	sadd.s32 s21, s3  }
0x9d: {  	[timem:s7], [sflag:s22] =	dma.local [hbm:s5], s20  }
0x9e: {  	_ =	swait.ge [sflag:s22], s20  }
0x9f: {  	s4 =	ssub.s32 $0x0, s20;
	[sflag:s22] =	ssyncset.done $0x0  }
0xa0: {  	[sflag:s22] =	ssyncadd.s32 s4;
	_ =	sdelay $0x1  }
0xa1: {  	s23 =	simm.s32 $0x1B8B  }
0xa2: {  	_ =	swait.ge [sflag:s23], $0x1  }
0xa3: {  	[sflag:s23] =	ssyncset.done $0x0  }
0xa4: {  	s25 =	simm.s32 $0x1B8E;
	s24 =	sld [smem:$0x3FFE];
	[sflag:s23] =	ssyncadd.s32 $0xFFFFFFFF  }
0xa5: {  	s26 =	simm.s32 $execute0_lowered;
	[smem:$0x3FD2] =	sst s25  }
0xa6: {  	s5 =	sshll.u32 s26, $0x1;
	_ =	strace $0x80000049;
	[dreg:$0x1] =	wrdreg $0xFFFFFFFF  }
0xa7: {  	s28 =	simm.s32 $_size_execute0_lowered;
	s3 =	sadd.s32 s3, s5;
	[dreg:$0x0] =	wrdreg $0x0  }
0xa8: {  	s5 =	sshll.u32 s28, $0x1;
	[dreg:$0x2] =	wrdreg s3  }
0xa9: {  	[dreg:$0x3] =	wrdreg s5  }
0xaa: {  	[dreg:$0x4] =	wrdreg $0xC0  }
0xab: {  	_ =	task [dreg:s7], $0x5FFFF  }
0xac: {  	[dreg:$0x1] =	wrdreg $0xFFFFFFFF  }
0xad: {  	[dreg:$0x0] =	wrdreg $0x60  }
0xae: {  	[dreg:$0x2] =	wrdreg s24  }
0xaf: {  	[dreg:$0x3] =	wrdreg s2  }
0xb0: {  	[dreg:$0x4] =	wrdreg $0x10C400  }
0xb1: {  	[dreg:$0x5] =	wrdreg $0x70000  }
0xb2: {  	[dreg:$0x6] =	wrdreg $0x9  }
0xb3: {  	_ =	task.clear_ibuf [dreg:s7], $0x7FFFF;
	_ =	strace $0x90000049  }
0xb4: {  	s29 =	simm.s32 $0x9;
	_ =	strace $0x8000004B  }
0xb5: {  	_ =	swait.ge [sflag:s29], $0x1  }
0xb6: {  	[sflag:s29] =	ssyncadd.s32 $0xFFFFFFFF  }
0xb7: {  	_ =	strace $0x9000004B  }
0xb8: {  	_ =	sfence  }
0xb9: {  	s30 =	sld [smem:$0x0];
	_ =	sdelay $0x2  }
0xba: {  	s31 =	sshll.u32 s1, $0xD;
	s1 =	sshrl.u32 s1, $0x2  }
0xbb: {  	s3 =	sand.u32 $0x4000, s31;
	s1 =	sadd.s32 s1, s30  }
0xbc: {  	s0 =	sor.u32 s3, s0;
	s1 =	sshll.u32 s1, $0x11  }
0xbd: {  	s0 =	sor.u32 s1, s0  }
0xbe: {  	s0 =	sadd.s32 $0x8F2B, s0  }
0xbf: {  	[sflag:s0] =	ssyncadd.remote.s32 $0x1  }
0xc0: {  	_ =	sfence.sel $0xFFFF  }
0xc1: {  	[dreg:$0x0] =	wrdreg $0xFFFFFFFF;
	(pc) =	sbr.abs _section_cstart, $3  }
0xc2: {  	[dreg:$0x1] =	wrdreg $0xFFFFFFFF  }
0xc3: {  	_ =	task.clear_ibuf [dreg:s7], $0x2FFFF;
	_ =	strace $0x9FFFFFFF  }
0xc4: {  	(tm) =	ssettm $0x7FFFFFFF  }
0xc5: {  	_ =	shalt  }
tec
execute0_lowered:
.L_overlay_start_1:
0x0: {  	(tag) =	ssettag $0x1  }
0x1: {  	s6 =	rddreg [dreg:$0x0]  }
0x2: {  	s9 =	rddreg [dreg:$0x1]  }
0x3: {  	s2 =	rddreg [dreg:$0x2]  }
0x4: {  	s3 =	rddreg [dreg:$0x3]  }
0x5: {  	s0 =	rddreg [dreg:$0x4];
	s4 =	srdreg.scid  }
0x6: {  	s1 =	stileid.u32;
	s13 =	simm.s32 $0x2800;
	s18 =	simm.s32 $0x80  }
0x7: {  	s19 =	simm.s32 $0x5000;
	s20 =	simm.s32 $0x0;
	s5 =	sand.u32 $0x1, s4  }
0x8: {  	s7 =	sshll.u32 s1, $0x1;
	s8 =	smul.u32 $0x9E00, s1;
	s4 =	simm.s32 $0x0  }
0x9: {  	s16 =	sadd.s32 $0x94200, s3;
	p0 =	seq.s32 s1, $0xF;
	s14 =	sshll.u32 s1, $0x6  }
0xa: {  	s7 =	sor.u32 s5, s7;
	s10 =	smul.u32 $0x9E000, s5;
	[smem:$0x7FF] =	sst s4  }
0xb: {  	s11 =	ssub.s32 $0x2, s5;
	s5 =	sadd.s32 $0x16400, s6;
	s14 =	sor.u32 $0x1C01, s14  }
0xc: {  	s16 =	sshrl.u32 @p0 s16, $0x3;
	s7 =	smul.u32 $0x500, s7;
	_ =	strace $0x8000004A  }
0xd: {  	s12 =	sshrl.u32 s11, $0x1;
	s31 =	sshrl.u32 s8, $0x3;
	s15 =	sadd.s32 s8, s2  }
0xe: {  	s17 =	sadd.s32 s8, s3;
	s10 =	sadd.s32 s8, s10;
	s11 =	ssub.s32 s11, s12  }
0xf: {  	s8 =	sadd.s32 s9, s31;
	s9 =	sadd.s32 $0x12840, s9;
	s12 =	simm.s32 $0x1  }
0x10: {  	s15 =	sshrl.u32 s15, $0x3;
	s17 =	sshrl.u32 @!p0 s17, $0x3;
	s10 =	sshrl.u32 s10, $0x3  }
0x11: {  	s7 =	sadd.s32 s7, s6;
	s11 =	smax.u32 s11, $0x1;
	s10 =	sadd.s32 s10, s6  }
0x12: {  	s6 =	sadd.s32 $0xC400, s7;
	s7 =	sadd.s32 $0x1C00, s7;
	s10 =	sadd.s32 $0x17800, s10  }
.LBB2_1:
0x13: {  	[tilespmem:s4], [sflag:$0x1] =	stream.linear.gather [hbm4b:s6+s4], $0x2800, $0x38;
	[tilespmem:$0x1AA40] =	vst v63  }
0x14: {  	_ =	swait.ge [sflag:s12], $0x2800  }
0x15: {  	[sflag:s12] =	ssyncset.done $0x0  }
0x16: {  	[sflag:s12] =	ssyncadd.s32 $0xFFFFD800  }
0x17: {  	[tilespmem:s13], [sflag:$0x1] =	stream.linear.gather [hbm4b:s7+s4], $0x2800, $0x38;
	[tilespmem:$0x1AA40] =	vst v63  }
0x18: {  	_ =	swait.ge [sflag:s12], $0x2800  }
0x19: {  	[sflag:s12] =	ssyncset.done $0x0  }
0x1a: {  	[sflag:s12] =	ssyncadd.s32 $0xFFFFD800  }
0x1b: {  	[spmem:s15], [sflag:s14] =	dma.local [hbm:s5], $0x13C0  }
0x1c: {  	_ =	swait.ge [sflag:s12], $0x13C0  }
0x1d: {  	[sflag:s12] =	ssyncset.done $0x0  }
0x1e: {  	s21 =	simm.s32 @p0 $0x1;
	[sflag:s12] =	ssyncadd.s32 $0xFFFFEC40  }
0x1f: {  	[spmem:s16], [sflag:s14] =	dma.local @p0 [hbm:s9], $0x1040  }
0x20: {  	_ =	swait.ge @p0 [sflag:s21], $0x1040  }
0x21: {  	[sflag:s21] =	ssyncset.done @p0 $0x0  }
0x22: {  	[sflag:s21] =	ssyncadd.s32 @p0 $0xFFFFEFC0;
	s21 =	simm.s32 @!p0 $0x1  }
0x23: {  	[spmem:s17], [sflag:s14] =	dma.local @!p0 [hbm:s8], $0x13C0  }
0x24: {  	_ =	swait.ge @!p0 [sflag:s21], $0x13C0  }
0x25: {  	[sflag:s21] =	ssyncset.done @!p0 $0x0  }
0x26: {  	[sflag:s21] =	ssyncadd.s32 @!p0 $0xFFFFEC40  }
0x27: {  	s30 =	simm.s32 $0x0;
	[bflag:$0x0] =	sbarrier.arrive $0xFFFF  }
0x28: {  	[tilespmem:s19], [sflag:$0x1] =	stream.indirect.gather [spmem:s3], $0x40, s30, s18, $0xb8;
	[tilespmem:$0x1AA40] =	vst v63  }
0x29: {  	_ =	swait.ge [sflag:s12], $0x2000  }
0x2a: {  	[sflag:s12] =	ssyncset.done $0x0  }
0x2b: {  	s31 =	simm.s32 $0x2800;
	[sflag:s12] =	ssyncadd.s32 $0xFFFFE000  }
0x2c: {  	[spmem:s2] =	stream.indirect.scatter.add.f32 [tilespmem:s19], [sflag:$0x1], $0x40, s31, s18, $0xb8;
	[tilespmem:$0x1AA40] =	vst v63  }
0x2d: {  	_ =	swait.ge [sflag:s12], $0x2000  }
0x2e: {  	s22 =	simm.s32 $0x400;
	s21 =	simm.s32 $0x200;
	[sflag:s12] =	ssyncset.done $0x0  }
.LBB2_2:
0x2f: {  	s23 =	sshra.s32 s21, $0x2  }
0x30: {  	[sflag:s12] =	ssyncadd.s32 $0xFFFFE000;
	s21 =	smov.u32 s22;
	s24 =	sadd.s32 $0x200, s22  }
0x31: {  	[tilespmem:s19], [sflag:$0x1] =	stream.indirect.gather [spmem:s3], $0x40, s23, s18, $0xb8;
	[tilespmem:$0x1AA40] =	vst v63  }
0x32: {  	p1 =	sne.s32 s22, $0x9E00;
	_ =	swait.ge [sflag:s12], $0x2000  }
.Ltmp0:
0x33: {  	[sflag:s12] =	ssyncset.done $0x0;
	(pc) =	sbr.rel @p1 .LBB2_2-.Ltmp0, $4  }
0x34: {  	s22 =	sadd.s32 $0x2800, s23;
	[sflag:s12] =	ssyncadd.s32 $0xFFFFE000  }
0x35: {  	[spmem:s2] =	stream.indirect.scatter.add.f32 [tilespmem:s19], [sflag:$0x1], $0x40, s22, s18, $0xb8;
	[tilespmem:$0x1AA40] =	vst v63  }
0x36: {  	_ =	swait.ge [sflag:s12], $0x2000  }
0x37: {  	s22 =	smov.u32 s24;
	[sflag:s12] =	ssyncset.done $0x0  }
0x38: {  	s21 =	sshra.s32 s21, $0x2;
	[sflag:s12] =	ssyncadd.s32 $0xFFFFE000  }
0x39: {  	[tilespmem:s19], [sflag:$0x1] =	stream.indirect.gather [spmem:s3], $0x40, s21, s18, $0xb8;
	[tilespmem:$0x1AA40] =	vst v63  }
0x3a: {  	_ =	swait.ge [sflag:s12], $0x2000  }
0x3b: {  	[sflag:s12] =	ssyncset.done $0x0  }
0x3c: {  	s21 =	sadd.s32 $0x2800, s21;
	[sflag:s12] =	ssyncadd.s32 $0xFFFFE000  }
0x3d: {  	[spmem:s2] =	stream.indirect.scatter.add.f32 [tilespmem:s19], [sflag:$0x1], $0x40, s21, s18, $0xb8;
	[tilespmem:$0x1AA40] =	vst v63  }
0x3e: {  	_ =	swait.ge [sflag:s12], $0x2000  }
0x3f: {  	s20 =	sadd.s32 $0x1, s20;
	[sflag:s12] =	ssyncset.done $0x0  }
0x40: {  	p1 =	sne.s32 s20, s11;
	[sflag:s12] =	ssyncadd.s32 $0xFFFFE000  }
.Ltmp1:
0x41: {  	[bflag:$0x0] =	sbarrier.arrive $0xFFFF;
	(pc) =	sbr.rel @p1 .LBB2_1-.Ltmp1, $4  }
0x42: {  	[hbm:s10], [sflag:s14] =	dma.local [spmem:s15], $0x13C0  }
0x43: {  	_ =	swait.ge [sflag:s12], $0x13C0  }
0x44: {  	[sflag:s12] =	ssyncset.done $0x0  }
0x45: {  	[sflag:s12] =	ssyncadd.s32 $0xFFFFEC40  }
0x46: {  	_ =	sfence.sel $0x180000  }
0x47: {  	[bflag:$0x0] =	sbarrier.arrive $0xFFFF  }
0x48: {  	p0 =	sne.s32 s1, $0x0;
	_ =	strace $0x9000004A  }
0x49: {  	s0 =	sadd.s32 @!p0 $0x100000, s0;
	[bflag:$0x2] =	sbarrier.arrive $0xFFFF  }
0x4a: {  	[sflag:s0] =	ssyncadd.tile.s32 @!p0 $0x1;
	_ =	shalt  }
.Lfunc_end2:
_tile_overlayer_lowered:
.L_overlay_start_2:
0x4b: {  	(tag) =	ssettag $0x2  }
0x4c: {  	s0 =	rddreg [dreg:$0x0];
	s2 =	stileid.u32  }
0x4d: {  	s1 =	rddreg [dreg:$0x1];
	p0 =	sne.s32 s2, $0x0  }
0x4e: {  	s3 =	rddreg [dreg:$0x2];
	[bflag:$0x3] =	sbarrier.arrive $0xFFFF;
	s2 =	simm.s32 @!p0 $0x1C01  }
0x4f: {  	[timem:s3], [sflag:s2] =	dma.local @!p0 [hbm:s0], s1  }
0x50: {  	s0 =	simm.s32 @!p0 $0x1  }
0x51: {  	_ =	swait.ge @!p0 [sflag:s0], s1  }
0x52: {  	s1 =	ssub.s32 @!p0 $0x0, s1;
	[sflag:s0] =	ssyncset.done @!p0 $0x0  }
0x53: {  	[sflag:s0] =	ssyncadd.s32 @!p0 s1  }
0x54: {  	[bflag:$0x3] =	sbarrier.arrive $0xFFFF  }
0x55: {  	_ =	shalt  }

// kernel: kernel.15.cloned.1.call-start
scs
__scs_entry_jumppad:
0x0: {  	(pc) =	sbr.rel $0x88, $3  }
0x1: {  	(tag) =	ssettag $0x0;
	lr =	simm.s32 $0x1  }
0x2: {  	[smem:$0x3F99] =	sst lr;
	_ =	strace $0xD0000000  }
0x3: {  	_ = 	snop  }
0x4: {  	_ = 	snop  }
0x5: {  	_ = 	snop  }
0x6: {  	_ = 	snop  }
0x7: {  	_ = 	snop  }
__scs_overlays_trampoline_lowered:
0x8: {  	[smem:$0x3FA8] =	sst s0  }
0x9: {  	[smem:$0x3FA9] =	sst s1  }
0xa: {  	[smem:$0x3FAA] =	sst s2  }
0xb: {  	[smem:$0x3FAB] =	sst s3  }
0xc: {  	[smem:$0x3FAC] =	sst s4  }
0xd: {  	[smem:$0x3FAD] =	sst s5  }
0xe: {  	[smem:$0x3FAE] =	sst s6  }
0xf: {  	[smem:$0x3FAF] =	sst s7  }
0x10: {  	[smem:$0x3FB0] =	sst s8  }
0x11: {  	[smem:$0x3FB1] =	sst s9;
	s0 =	simm.s32 @!p0 $0x0  }
0x12: {  	s1 =	sld [smem:$0x3F97];
	s0 =	simm.s32 @p0 $0x1  }
0x13: {  	[smem:$0x3FB2] =	sst s0;
	s0 =	simm.s32 @!p1 $0x0  }
0x14: {  	s2 =	sld [smem:$0x3F96];
	s0 =	simm.s32 @p1 $0x1  }
0x15: {  	[smem:$0x3FB3] =	sst s0;
	s0 =	simm.s32 @!p2 $0x0  }
0x16: {  	s3 =	sld [smem:$0x3FDB];
	s0 =	simm.s32 @p2 $0x1  }
0x17: {  	s4 =	simm.s32 $0x1BF5;
	[smem:$0x3FB5] =	sst s0  }
0x18: {  	s0 =	sld [smem:$0x3F98];
	_ =	swait.ge [sflag:s4], $0x0  }
0x19: {  	s7 =	sld [smem:$0x3F99]  }
0x1a: {  	s8 =	sadd.s32 $0xFFFFE003, lr  }
0x1b: {  	s9 =	sadd.s32 $0xFFFFFEF7, lr;
	s5 =	simm.s32 $0xFFFFFFFF;
	p2 =	slt.u32 s8, $0xFFFFF086  }
0x1c: {  	p1 =	slt.u32 s9, $0xF7A;
	s5 =	simm.s32 @!p2 $0x0  }
0x1d: {  	s5 =	simm.s32 @p1 $0x1;
	p0 =	seq.s32 s7, s2  }
0x1e: {  	s7 =	smul.u32 @!p0 $0xF7A, s2;
	p2 =	seq.s32 @!p0 s5, $0x0  }
0x1f: {  	s9 =	smul.u32 $0xF7A, s1;
	s8 =	simm.s32 @!p0 $0x1BF5;
	p2 =	por !p2, p0  }
0x20: {  	[sflag:s8] =	ssyncset.s32 @!p0 $0xFFFFF086;
	s6 =	sadd.s32 @!p0 s3, s7;
	s7 =	simm.s32 @!p0 $0x108  }
0x21: {  	s3 =	sadd.s32 s3, s9;
	s6 =	sadd.s32 @!p0 $0x88, s6;
	s7 =	simm.s32 @p2 $0x1082  }
0x22: {  	[simem:s7], [sflag:s8] =	dma.local @!p0 [hbm:s6], $0xF7A  }
0x23: {  	s9 =	sor.u32 $0xD0000000, s2;
	s6 =	simm.s32 $0x108;
	_ =	swait.ge @!p0 [sflag:s8], $0x0  }
0x24: {  	s3 =	sadd.s32 $0x88, s3;
	s6 =	simm.s32 @!p1 $0x1082;
	[sflag:s4] =	ssyncset.s32 $0xFFFFF086  }
0x25: {  	[simem:s6], [sflag:s4] =	dma.local [hbm:s3], $0xF7A  }
0x26: {  	[smem:$0x3F99] =	sst s1;
	(tag) =	ssettag s2;
	_ =	strace s9  }
0x27: {  	s1 =	sld [smem:$0x3FA9]  }
0x28: {  	s2 =	sld [smem:$0x3FAA]  }
0x29: {  	s4 =	sld [smem:$0x3FAC]  }
0x2a: {  	p0 =	seq.s32 s5, $0x0;
	s5 =	sld [smem:$0x3FAD]  }
0x2b: {  	s6 =	sld [smem:$0x3FAE]  }
0x2c: {  	s7 =	sld [smem:$0x3FAF]  }
0x2d: {  	s3 =	simm.s32 $0x108;
	s8 =	sld [smem:$0x3FB0]  }
0x2e: {  	s3 =	simm.s32 @!p0 $0x1082;
	s9 =	sld [smem:$0x3FB1]  }
0x2f: {  	lr =	sadd.s32 s0, s3;
	s0 =	sld [smem:$0x3FA8]  }
0x30: {  	s3 =	sld [smem:$0x3FAB]  }
0x31: {  	[smem:$0x3FB4] =	sst s10  }
0x32: {  	s10 =	sld [smem:$0x3FB2];
	_ =	sdelay $0x3  }
0x33: {  	p0 =	seq.s32 s10, $0x1;
	s10 =	sld [smem:$0x3FB4];
	_ =	sdelay $0x3  }
0x34: {  	[smem:$0x3FB4] =	sst s10  }
0x35: {  	s10 =	sld [smem:$0x3FB3];
	_ =	sdelay $0x3  }
0x36: {  	p1 =	seq.s32 s10, $0x1;
	s10 =	sld [smem:$0x3FB4];
	_ =	sdelay $0x3  }
0x37: {  	[smem:$0x3FB4] =	sst s10  }
0x38: {  	s10 =	sld [smem:$0x3FB5]  }
0x39: {  	_ = 	snop;
	(pc) =	sbr.ind lr, $3  }
0x3a: {  	_ = 	snop  }
0x3b: {  	_ = 	snop  }
0x3c: {  	p2 =	seq.s32 s10, $0x1;
	s10 =	sld [smem:$0x3FB4]  }
0x3d: {  	_ =	shalt  }
0x3e: {  	_ =	shalt  }
0x3f: {  	_ =	shalt  }
0x40: {  	_ =	shalt  }
0x41: {  	_ =	shalt  }
0x42: {  	_ =	shalt  }
0x43: {  	_ =	shalt  }
0x44: {  	_ =	shalt  }
0x45: {  	_ =	shalt  }
0x46: {  	_ =	shalt  }
0x47: {  	_ =	shalt  }
0x48: {  	_ =	shalt  }
0x49: {  	_ =	shalt  }
0x4a: {  	_ =	shalt  }
0x4b: {  	_ =	shalt  }
0x4c: {  	_ =	shalt  }
0x4d: {  	_ =	shalt  }
0x4e: {  	_ =	shalt  }
0x4f: {  	_ =	shalt  }
0x50: {  	_ =	shalt  }
0x51: {  	_ =	shalt  }
0x52: {  	_ =	shalt  }
0x53: {  	_ =	shalt  }
0x54: {  	_ =	shalt  }
0x55: {  	_ =	shalt  }
0x56: {  	_ =	shalt  }
0x57: {  	_ =	shalt  }
0x58: {  	_ =	shalt  }
0x59: {  	_ =	shalt  }
0x5a: {  	_ =	shalt  }
0x5b: {  	_ =	shalt  }
0x5c: {  	_ =	shalt  }
0x5d: {  	_ =	shalt  }
0x5e: {  	_ =	shalt  }
0x5f: {  	_ =	shalt  }
0x60: {  	_ =	shalt  }
0x61: {  	_ =	shalt  }
0x62: {  	_ =	shalt  }
0x63: {  	_ =	shalt  }
0x64: {  	_ =	shalt  }
0x65: {  	_ =	shalt  }
0x66: {  	_ =	shalt  }
0x67: {  	_ =	shalt  }
0x68: {  	_ =	shalt  }
0x69: {  	_ =	shalt  }
0x6a: {  	_ =	shalt  }
0x6b: {  	_ =	shalt  }
0x6c: {  	_ =	shalt  }
0x6d: {  	_ =	shalt  }
0x6e: {  	_ =	shalt  }
0x6f: {  	_ =	shalt  }
0x70: {  	_ =	shalt  }
0x71: {  	_ =	shalt  }
0x72: {  	_ =	shalt  }
0x73: {  	_ =	shalt  }
0x74: {  	_ =	shalt  }
0x75: {  	_ =	shalt  }
0x76: {  	_ =	shalt  }
0x77: {  	_ =	shalt  }
0x78: {  	_ =	shalt  }
0x79: {  	_ =	shalt  }
0x7a: {  	_ =	shalt  }
0x7b: {  	_ =	shalt  }
0x7c: {  	_ =	shalt  }
0x7d: {  	_ =	shalt  }
0x7e: {  	_ =	shalt  }
0x7f: {  	_ =	shalt  }
0x80: {  	_ =	shalt  }
0x81: {  	_ =	shalt  }
0x82: {  	_ =	shalt  }
0x83: {  	_ =	shalt  }
0x84: {  	_ =	shalt  }
0x85: {  	_ =	shalt  }
0x86: {  	_ =	shalt  }
0x87: {  	_ =	shalt  }
.Lfunc_end0:
.L_simem_size_0:
called_computation.2_lowered:
.L_overlay_start_0:
0x88: {  	s2 =	sld [smem:$0x3FD9]  }
0x89: {  	s3 =	sld [smem:$0x3FFE];
	_ =	sdelay $0x1  }
0x8a: {  	s1 =	srdreg.scid  }
0x8b: {  	s0 =	sand.u32 $0x1, s1  }
0x8c: {  	s17 =	sshll.u32 s0, $0xA;
	s2 =	sadd.s32 s3, s2  }
0x8d: {  	s2 =	sadd.s32 s2, s17  }
0x8e: {  	[smem:$0x3FC0] =	sst s2  }
0x8f: {  	_ = 	snop  }
0x90: {  	s2 =	sld [smem:$0x3FD0];
	(tm) =	ssettm $0x1  }
0x91: {  	s18 =	sld [smem:$0x3FFB];
	_ =	sdelay $0x3  }
0x92: {  	_ =	strace s18  }
0x93: {  	s3 =	sld [smem:$0x3FFC];
	_ =	sdelay $0x3  }
0x94: {  	_ =	strace s3  }
0x95: {  	s3 =	sld [smem:$0x3FFD];
	_ =	sdelay $0x3  }
0x96: {  	_ =	strace s3  }
0x97: {  	_ =	strace $0x8FFFFFFF  }
0x98: {  	s19 =	sld [smem:$0x3FDB];
	_ =	sdelay $0x1  }
0x99: {  	s4 =	simm.s32 $_scs_section_size  }
0x9a: {  	s5 =	simm.s32 $_size__tile_overlayer_lowered;
	s6 =	simm.s32 $_tile_overlayer_lowered  }
0x9b: {  	s22 =	simm.s32 $0x1BFF;
	s21 =	sshll.u32 s6, $0x1;
	s3 =	sadd.s32 s4, s19  }
0x9c: {  	s7 =	simm.s32 $0x0;
	s20 =	sshll.u32 s5, $0x1;
	s5 =	sadd.s32 s21, s3  }
0x9d: {  	[timem:s7], [sflag:s22] =	dma.local [hbm:s5], s20  }
0x9e: {  	_ =	swait.ge [sflag:s22], s20  }
0x9f: {  	s4 =	ssub.s32 $0x0, s20;
	[sflag:s22] =	ssyncset.done $0x0  }
0xa0: {  	[sflag:s22] =	ssyncadd.s32 s4;
	_ =	sdelay $0x1  }
0xa1: {  	s23 =	simm.s32 $0x1B8B  }
0xa2: {  	_ =	swait.ge [sflag:s23], $0x1  }
0xa3: {  	[sflag:s23] =	ssyncset.done $0x0  }
0xa4: {  	s25 =	simm.s32 $0x1B8E;
	s24 =	sld [smem:$0x3FFE];
	[sflag:s23] =	ssyncadd.s32 $0xFFFFFFFF  }
0xa5: {  	s26 =	simm.s32 $execute0_lowered;
	[smem:$0x3FD2] =	sst s25  }
0xa6: {  	s5 =	sshll.u32 s26, $0x1;
	_ =	strace $0x8000004C;
	[dreg:$0x1] =	wrdreg $0xFFFFFFFF  }
0xa7: {  	s28 =	simm.s32 $_size_execute0_lowered;
	s3 =	sadd.s32 s3, s5;
	[dreg:$0x0] =	wrdreg $0x0  }
0xa8: {  	s5 =	sshll.u32 s28, $0x1;
	[dreg:$0x2] =	wrdreg s3  }
0xa9: {  	[dreg:$0x3] =	wrdreg s5  }
0xaa: {  	[dreg:$0x4] =	wrdreg $0xC0  }
0xab: {  	_ =	task [dreg:s7], $0x5FFFF  }
0xac: {  	[dreg:$0x1] =	wrdreg $0xFFFFFFFF  }
0xad: {  	[dreg:$0x0] =	wrdreg $0x60  }
0xae: {  	[dreg:$0x2] =	wrdreg s24  }
0xaf: {  	[dreg:$0x3] =	wrdreg s2  }
0xb0: {  	[dreg:$0x4] =	wrdreg $0x10C400  }
0xb1: {  	[dreg:$0x5] =	wrdreg $0x70000  }
0xb2: {  	[dreg:$0x6] =	wrdreg $0x9  }
0xb3: {  	_ =	task.clear_ibuf [dreg:s7], $0x7FFFF;
	_ =	strace $0x9000004C  }
0xb4: {  	s29 =	simm.s32 $0x9;
	_ =	strace $0x8000004E  }
0xb5: {  	_ =	swait.ge [sflag:s29], $0x1  }
0xb6: {  	[sflag:s29] =	ssyncadd.s32 $0xFFFFFFFF  }
0xb7: {  	_ =	strace $0x9000004E  }
0xb8: {  	_ =	sfence  }
0xb9: {  	s30 =	sld [smem:$0x0];
	_ =	sdelay $0x2  }
0xba: {  	s31 =	sshll.u32 s1, $0xD;
	s1 =	sshrl.u32 s1, $0x2  }
0xbb: {  	s3 =	sand.u32 $0x4000, s31;
	s1 =	sadd.s32 s1, s30  }
0xbc: {  	s0 =	sor.u32 s3, s0;
	s1 =	sshll.u32 s1, $0x11  }
0xbd: {  	s0 =	sor.u32 s1, s0  }
0xbe: {  	s0 =	sadd.s32 $0x8F2B, s0  }
0xbf: {  	[sflag:s0] =	ssyncadd.remote.s32 $0x1  }
0xc0: {  	_ =	sfence.sel $0xFFFF  }
0xc1: {  	[dreg:$0x0] =	wrdreg $0xFFFFFFFF;
	(pc) =	sbr.abs _section_cstart, $3  }
0xc2: {  	[dreg:$0x1] =	wrdreg $0xFFFFFFFF  }
0xc3: {  	_ =	task.clear_ibuf [dreg:s7], $0x2FFFF;
	_ =	strace $0x9FFFFFFF  }
0xc4: {  	(tm) =	ssettm $0x7FFFFFFF  }
0xc5: {  	_ =	shalt  }
tec
execute0_lowered:
.L_overlay_start_1:
0x0: {  	(tag) =	ssettag $0x1  }
0x1: {  	s6 =	rddreg [dreg:$0x0]  }
0x2: {  	s9 =	rddreg [dreg:$0x1]  }
0x3: {  	s2 =	rddreg [dreg:$0x2]  }
0x4: {  	s3 =	rddreg [dreg:$0x3]  }
0x5: {  	s0 =	rddreg [dreg:$0x4];
	s4 =	srdreg.scid  }
0x6: {  	s1 =	stileid.u32;
	s13 =	simm.s32 $0x2800;
	s18 =	simm.s32 $0x80  }
0x7: {  	s19 =	simm.s32 $0x5000;
	s20 =	simm.s32 $0x0;
	s5 =	sand.u32 $0x1, s4  }
0x8: {  	s7 =	sshll.u32 s1, $0x1;
	s8 =	smul.u32 $0x9E00, s1;
	s4 =	simm.s32 $0x0  }
0x9: {  	s16 =	sadd.s32 $0x94200, s3;
	p0 =	seq.s32 s1, $0xF;
	s14 =	sshll.u32 s1, $0x6  }
0xa: {  	s7 =	sor.u32 s5, s7;
	s10 =	smul.u32 $0x9E000, s5;
	[smem:$0x7FF] =	sst s4  }
0xb: {  	s11 =	ssub.s32 $0x2, s5;
	s5 =	sadd.s32 $0x16400, s6;
	s14 =	sor.u32 $0x1C01, s14  }
0xc: {  	s16 =	sshrl.u32 @p0 s16, $0x3;
	s7 =	smul.u32 $0x500, s7;
	_ =	strace $0x8000004D  }
0xd: {  	s12 =	sshrl.u32 s11, $0x1;
	s31 =	sshrl.u32 s8, $0x3;
	s15 =	sadd.s32 s8, s2  }
0xe: {  	s17 =	sadd.s32 s8, s3;
	s10 =	sadd.s32 s8, s10;
	s11 =	ssub.s32 s11, s12  }
0xf: {  	s8 =	sadd.s32 s9, s31;
	s9 =	sadd.s32 $0x12840, s9;
	s12 =	simm.s32 $0x1  }
0x10: {  	s15 =	sshrl.u32 s15, $0x3;
	s17 =	sshrl.u32 @!p0 s17, $0x3;
	s10 =	sshrl.u32 s10, $0x3  }
0x11: {  	s7 =	sadd.s32 s7, s6;
	s11 =	smax.u32 s11, $0x1;
	s10 =	sadd.s32 s10, s6  }
0x12: {  	s6 =	sadd.s32 $0xC400, s7;
	s7 =	sadd.s32 $0x1C00, s7;
	s10 =	sadd.s32 $0x17800, s10  }
.LBB2_1:
0x13: {  	[tilespmem:s4], [sflag:$0x1] =	stream.linear.gather [hbm4b:s6+s4], $0x2800, $0x38;
	[tilespmem:$0x1AA40] =	vst v63  }
0x14: {  	_ =	swait.ge [sflag:s12], $0x2800  }
0x15: {  	[sflag:s12] =	ssyncset.done $0x0  }
0x16: {  	[sflag:s12] =	ssyncadd.s32 $0xFFFFD800  }
0x17: {  	[tilespmem:s13], [sflag:$0x1] =	stream.linear.gather [hbm4b:s7+s4], $0x2800, $0x38;
	[tilespmem:$0x1AA40] =	vst v63  }
0x18: {  	_ =	swait.ge [sflag:s12], $0x2800  }
0x19: {  	[sflag:s12] =	ssyncset.done $0x0  }
0x1a: {  	[sflag:s12] =	ssyncadd.s32 $0xFFFFD800  }
0x1b: {  	[spmem:s15], [sflag:s14] =	dma.local [hbm:s5], $0x13C0  }
0x1c: {  	_ =	swait.ge [sflag:s12], $0x13C0  }
0x1d: {  	[sflag:s12] =	ssyncset.done $0x0  }
0x1e: {  	s21 =	simm.s32 @p0 $0x1;
	[sflag:s12] =	ssyncadd.s32 $0xFFFFEC40  }
0x1f: {  	[spmem:s16], [sflag:s14] =	dma.local @p0 [hbm:s9], $0x1040  }
0x20: {  	_ =	swait.ge @p0 [sflag:s21], $0x1040  }
0x21: {  	[sflag:s21] =	ssyncset.done @p0 $0x0  }
0x22: {  	[sflag:s21] =	ssyncadd.s32 @p0 $0xFFFFEFC0;
	s21 =	simm.s32 @!p0 $0x1  }
0x23: {  	[spmem:s17], [sflag:s14] =	dma.local @!p0 [hbm:s8], $0x13C0  }
0x24: {  	_ =	swait.ge @!p0 [sflag:s21], $0x13C0  }
0x25: {  	[sflag:s21] =	ssyncset.done @!p0 $0x0  }
0x26: {  	[sflag:s21] =	ssyncadd.s32 @!p0 $0xFFFFEC40  }
0x27: {  	s30 =	simm.s32 $0x0;
	[bflag:$0x0] =	sbarrier.arrive $0xFFFF  }
0x28: {  	[tilespmem:s19], [sflag:$0x1] =	stream.indirect.gather [spmem:s3], $0x40, s30, s18, $0xb8;
	[tilespmem:$0x1AA40] =	vst v63  }
0x29: {  	_ =	swait.ge [sflag:s12], $0x2000  }
0x2a: {  	[sflag:s12] =	ssyncset.done $0x0  }
0x2b: {  	s31 =	simm.s32 $0x2800;
	[sflag:s12] =	ssyncadd.s32 $0xFFFFE000  }
0x2c: {  	[spmem:s2] =	stream.indirect.scatter.add.f32 [tilespmem:s19], [sflag:$0x1], $0x40, s31, s18, $0xb8;
	[tilespmem:$0x1AA40] =	vst v63  }
0x2d: {  	_ =	swait.ge [sflag:s12], $0x2000  }
0x2e: {  	s22 =	simm.s32 $0x400;
	s21 =	simm.s32 $0x200;
	[sflag:s12] =	ssyncset.done $0x0  }
.LBB2_2:
0x2f: {  	s23 =	sshra.s32 s21, $0x2  }
0x30: {  	[sflag:s12] =	ssyncadd.s32 $0xFFFFE000;
	s21 =	smov.u32 s22;
	s24 =	sadd.s32 $0x200, s22  }
0x31: {  	[tilespmem:s19], [sflag:$0x1] =	stream.indirect.gather [spmem:s3], $0x40, s23, s18, $0xb8;
	[tilespmem:$0x1AA40] =	vst v63  }
0x32: {  	p1 =	sne.s32 s22, $0x9E00;
	_ =	swait.ge [sflag:s12], $0x2000  }
.Ltmp0:
0x33: {  	[sflag:s12] =	ssyncset.done $0x0;
	(pc) =	sbr.rel @p1 .LBB2_2-.Ltmp0, $4  }
0x34: {  	s22 =	sadd.s32 $0x2800, s23;
	[sflag:s12] =	ssyncadd.s32 $0xFFFFE000  }
0x35: {  	[spmem:s2] =	stream.indirect.scatter.add.f32 [tilespmem:s19], [sflag:$0x1], $0x40, s22, s18, $0xb8;
	[tilespmem:$0x1AA40] =	vst v63  }
0x36: {  	_ =	swait.ge [sflag:s12], $0x2000  }
0x37: {  	s22 =	smov.u32 s24;
	[sflag:s12] =	ssyncset.done $0x0  }
0x38: {  	s21 =	sshra.s32 s21, $0x2;
	[sflag:s12] =	ssyncadd.s32 $0xFFFFE000  }
0x39: {  	[tilespmem:s19], [sflag:$0x1] =	stream.indirect.gather [spmem:s3], $0x40, s21, s18, $0xb8;
	[tilespmem:$0x1AA40] =	vst v63  }
0x3a: {  	_ =	swait.ge [sflag:s12], $0x2000  }
0x3b: {  	[sflag:s12] =	ssyncset.done $0x0  }
0x3c: {  	s21 =	sadd.s32 $0x2800, s21;
	[sflag:s12] =	ssyncadd.s32 $0xFFFFE000  }
0x3d: {  	[spmem:s2] =	stream.indirect.scatter.add.f32 [tilespmem:s19], [sflag:$0x1], $0x40, s21, s18, $0xb8;
	[tilespmem:$0x1AA40] =	vst v63  }
0x3e: {  	_ =	swait.ge [sflag:s12], $0x2000  }
0x3f: {  	s20 =	sadd.s32 $0x1, s20;
	[sflag:s12] =	ssyncset.done $0x0  }
0x40: {  	p1 =	sne.s32 s20, s11;
	[sflag:s12] =	ssyncadd.s32 $0xFFFFE000  }
.Ltmp1:
0x41: {  	[bflag:$0x0] =	sbarrier.arrive $0xFFFF;
	(pc) =	sbr.rel @p1 .LBB2_1-.Ltmp1, $4  }
0x42: {  	[hbm:s10], [sflag:s14] =	dma.local [spmem:s15], $0x13C0  }
0x43: {  	_ =	swait.ge [sflag:s12], $0x13C0  }
0x44: {  	[sflag:s12] =	ssyncset.done $0x0  }
0x45: {  	[sflag:s12] =	ssyncadd.s32 $0xFFFFEC40  }
0x46: {  	_ =	sfence.sel $0x180000  }
0x47: {  	[bflag:$0x0] =	sbarrier.arrive $0xFFFF  }
0x48: {  	p0 =	sne.s32 s1, $0x0;
	_ =	strace $0x9000004D  }
0x49: {  	s0 =	sadd.s32 @!p0 $0x100000, s0;
	[bflag:$0x2] =	sbarrier.arrive $0xFFFF  }
0x4a: {  	[sflag:s0] =	ssyncadd.tile.s32 @!p0 $0x1;
	_ =	shalt  }
.Lfunc_end2:
_tile_overlayer_lowered:
.L_overlay_start_2:
0x4b: {  	(tag) =	ssettag $0x2  }
0x4c: {  	s0 =	rddreg [dreg:$0x0];
	s2 =	stileid.u32  }
0x4d: {  	s1 =	rddreg [dreg:$0x1];
	p0 =	sne.s32 s2, $0x0  }
0x4e: {  	s3 =	rddreg [dreg:$0x2];
	[bflag:$0x3] =	sbarrier.arrive $0xFFFF;
	s2 =	simm.s32 @!p0 $0x1C01  }
0x4f: {  	[timem:s3], [sflag:s2] =	dma.local @!p0 [hbm:s0], s1  }
0x50: {  	s0 =	simm.s32 @!p0 $0x1  }
0x51: {  	_ =	swait.ge @!p0 [sflag:s0], s1  }
0x52: {  	s1 =	ssub.s32 @!p0 $0x0, s1;
	[sflag:s0] =	ssyncset.done @!p0 $0x0  }
0x53: {  	[sflag:s0] =	ssyncadd.s32 @!p0 s1  }
0x54: {  	[bflag:$0x3] =	sbarrier.arrive $0xFFFF  }
0x55: {  	_ =	shalt  }

// kernel: kernel.9.cloned.1.call-start
scs
__scs_entry_jumppad:
0x0: {  	(pc) =	sbr.rel $0x88, $3  }
0x1: {  	(tag) =	ssettag $0x0;
	lr =	simm.s32 $0x1  }
0x2: {  	[smem:$0x3F99] =	sst lr;
	_ =	strace $0xD0000000  }
0x3: {  	_ = 	snop  }
0x4: {  	_ = 	snop  }
0x5: {  	_ = 	snop  }
0x6: {  	_ = 	snop  }
0x7: {  	_ = 	snop  }
__scs_overlays_trampoline_lowered:
0x8: {  	[smem:$0x3FA8] =	sst s0  }
0x9: {  	[smem:$0x3FA9] =	sst s1  }
0xa: {  	[smem:$0x3FAA] =	sst s2  }
0xb: {  	[smem:$0x3FAB] =	sst s3  }
0xc: {  	[smem:$0x3FAC] =	sst s4  }
0xd: {  	[smem:$0x3FAD] =	sst s5  }
0xe: {  	[smem:$0x3FAE] =	sst s6  }
0xf: {  	[smem:$0x3FAF] =	sst s7  }
0x10: {  	[smem:$0x3FB0] =	sst s8  }
0x11: {  	[smem:$0x3FB1] =	sst s9;
	s0 =	simm.s32 @!p0 $0x0  }
0x12: {  	s1 =	sld [smem:$0x3F97];
	s0 =	simm.s32 @p0 $0x1  }
0x13: {  	[smem:$0x3FB2] =	sst s0;
	s0 =	simm.s32 @!p1 $0x0  }
0x14: {  	s2 =	sld [smem:$0x3F96];
	s0 =	simm.s32 @p1 $0x1  }
0x15: {  	[smem:$0x3FB3] =	sst s0;
	s0 =	simm.s32 @!p2 $0x0  }
0x16: {  	s3 =	sld [smem:$0x3FDB];
	s0 =	simm.s32 @p2 $0x1  }
0x17: {  	s4 =	simm.s32 $0x1BF5;
	[smem:$0x3FB5] =	sst s0  }
0x18: {  	s0 =	sld [smem:$0x3F98];
	_ =	swait.ge [sflag:s4], $0x0  }
0x19: {  	s7 =	sld [smem:$0x3F99]  }
0x1a: {  	s8 =	sadd.s32 $0xFFFFE003, lr  }
0x1b: {  	s9 =	sadd.s32 $0xFFFFFEF7, lr;
	s5 =	simm.s32 $0xFFFFFFFF;
	p2 =	slt.u32 s8, $0xFFFFF086  }
0x1c: {  	p1 =	slt.u32 s9, $0xF7A;
	s5 =	simm.s32 @!p2 $0x0  }
0x1d: {  	s5 =	simm.s32 @p1 $0x1;
	p0 =	seq.s32 s7, s2  }
0x1e: {  	s7 =	smul.u32 @!p0 $0xF7A, s2;
	p2 =	seq.s32 @!p0 s5, $0x0  }
0x1f: {  	s9 =	smul.u32 $0xF7A, s1;
	s8 =	simm.s32 @!p0 $0x1BF5;
	p2 =	por !p2, p0  }
0x20: {  	[sflag:s8] =	ssyncset.s32 @!p0 $0xFFFFF086;
	s6 =	sadd.s32 @!p0 s3, s7;
	s7 =	simm.s32 @!p0 $0x108  }
0x21: {  	s3 =	sadd.s32 s3, s9;
	s6 =	sadd.s32 @!p0 $0x88, s6;
	s7 =	simm.s32 @p2 $0x1082  }
0x22: {  	[simem:s7], [sflag:s8] =	dma.local @!p0 [hbm:s6], $0xF7A  }
0x23: {  	s9 =	sor.u32 $0xD0000000, s2;
	s6 =	simm.s32 $0x108;
	_ =	swait.ge @!p0 [sflag:s8], $0x0  }
0x24: {  	s3 =	sadd.s32 $0x88, s3;
	s6 =	simm.s32 @!p1 $0x1082;
	[sflag:s4] =	ssyncset.s32 $0xFFFFF086  }
0x25: {  	[simem:s6], [sflag:s4] =	dma.local [hbm:s3], $0xF7A  }
0x26: {  	[smem:$0x3F99] =	sst s1;
	(tag) =	ssettag s2;
	_ =	strace s9  }
0x27: {  	s1 =	sld [smem:$0x3FA9]  }
0x28: {  	s2 =	sld [smem:$0x3FAA]  }
0x29: {  	s4 =	sld [smem:$0x3FAC]  }
0x2a: {  	p0 =	seq.s32 s5, $0x0;
	s5 =	sld [smem:$0x3FAD]  }
0x2b: {  	s6 =	sld [smem:$0x3FAE]  }
0x2c: {  	s7 =	sld [smem:$0x3FAF]  }
0x2d: {  	s3 =	simm.s32 $0x108;
	s8 =	sld [smem:$0x3FB0]  }
0x2e: {  	s3 =	simm.s32 @!p0 $0x1082;
	s9 =	sld [smem:$0x3FB1]  }
0x2f: {  	lr =	sadd.s32 s0, s3;
	s0 =	sld [smem:$0x3FA8]  }
0x30: {  	s3 =	sld [smem:$0x3FAB]  }
0x31: {  	[smem:$0x3FB4] =	sst s10  }
0x32: {  	s10 =	sld [smem:$0x3FB2];
	_ =	sdelay $0x3  }
0x33: {  	p0 =	seq.s32 s10, $0x1;
	s10 =	sld [smem:$0x3FB4];
	_ =	sdelay $0x3  }
0x34: {  	[smem:$0x3FB4] =	sst s10  }
0x35: {  	s10 =	sld [smem:$0x3FB3];
	_ =	sdelay $0x3  }
0x36: {  	p1 =	seq.s32 s10, $0x1;
	s10 =	sld [smem:$0x3FB4];
	_ =	sdelay $0x3  }
0x37: {  	[smem:$0x3FB4] =	sst s10  }
0x38: {  	s10 =	sld [smem:$0x3FB5]  }
0x39: {  	_ = 	snop;
	(pc) =	sbr.ind lr, $3  }
0x3a: {  	_ = 	snop  }
0x3b: {  	_ = 	snop  }
0x3c: {  	p2 =	seq.s32 s10, $0x1;
	s10 =	sld [smem:$0x3FB4]  }
0x3d: {  	_ =	shalt  }
0x3e: {  	_ =	shalt  }
0x3f: {  	_ =	shalt  }
0x40: {  	_ =	shalt  }
0x41: {  	_ =	shalt  }
0x42: {  	_ =	shalt  }
0x43: {  	_ =	shalt  }
0x44: {  	_ =	shalt  }
0x45: {  	_ =	shalt  }
0x46: {  	_ =	shalt  }
0x47: {  	_ =	shalt  }
0x48: {  	_ =	shalt  }
0x49: {  	_ =	shalt  }
0x4a: {  	_ =	shalt  }
0x4b: {  	_ =	shalt  }
0x4c: {  	_ =	shalt  }
0x4d: {  	_ =	shalt  }
0x4e: {  	_ =	shalt  }
0x4f: {  	_ =	shalt  }
0x50: {  	_ =	shalt  }
0x51: {  	_ =	shalt  }
0x52: {  	_ =	shalt  }
0x53: {  	_ =	shalt  }
0x54: {  	_ =	shalt  }
0x55: {  	_ =	shalt  }
0x56: {  	_ =	shalt  }
0x57: {  	_ =	shalt  }
0x58: {  	_ =	shalt  }
0x59: {  	_ =	shalt  }
0x5a: {  	_ =	shalt  }
0x5b: {  	_ =	shalt  }
0x5c: {  	_ =	shalt  }
0x5d: {  	_ =	shalt  }
0x5e: {  	_ =	shalt  }
0x5f: {  	_ =	shalt  }
0x60: {  	_ =	shalt  }
0x61: {  	_ =	shalt  }
0x62: {  	_ =	shalt  }
0x63: {  	_ =	shalt  }
0x64: {  	_ =	shalt  }
0x65: {  	_ =	shalt  }
0x66: {  	_ =	shalt  }
0x67: {  	_ =	shalt  }
0x68: {  	_ =	shalt  }
0x69: {  	_ =	shalt  }
0x6a: {  	_ =	shalt  }
0x6b: {  	_ =	shalt  }
0x6c: {  	_ =	shalt  }
0x6d: {  	_ =	shalt  }
0x6e: {  	_ =	shalt  }
0x6f: {  	_ =	shalt  }
0x70: {  	_ =	shalt  }
0x71: {  	_ =	shalt  }
0x72: {  	_ =	shalt  }
0x73: {  	_ =	shalt  }
0x74: {  	_ =	shalt  }
0x75: {  	_ =	shalt  }
0x76: {  	_ =	shalt  }
0x77: {  	_ =	shalt  }
0x78: {  	_ =	shalt  }
0x79: {  	_ =	shalt  }
0x7a: {  	_ =	shalt  }
0x7b: {  	_ =	shalt  }
0x7c: {  	_ =	shalt  }
0x7d: {  	_ =	shalt  }
0x7e: {  	_ =	shalt  }
0x7f: {  	_ =	shalt  }
0x80: {  	_ =	shalt  }
0x81: {  	_ =	shalt  }
0x82: {  	_ =	shalt  }
0x83: {  	_ =	shalt  }
0x84: {  	_ =	shalt  }
0x85: {  	_ =	shalt  }
0x86: {  	_ =	shalt  }
0x87: {  	_ =	shalt  }
.Lfunc_end0:
.L_simem_size_0:
called_computation_lowered:
.L_overlay_start_0:
0x88: {  	s2 =	sld [smem:$0x3FD9]  }
0x89: {  	s3 =	sld [smem:$0x3FFE];
	_ =	sdelay $0x1  }
0x8a: {  	s1 =	srdreg.scid  }
0x8b: {  	s0 =	sand.u32 $0x1, s1  }
0x8c: {  	s17 =	sshll.u32 s0, $0xA;
	s2 =	sadd.s32 s3, s2  }
0x8d: {  	s2 =	sadd.s32 s2, s17  }
0x8e: {  	[smem:$0x3FC0] =	sst s2  }
0x8f: {  	_ = 	snop  }
0x90: {  	s2 =	sld [smem:$0x3FD0];
	(tm) =	ssettm $0x1  }
0x91: {  	s18 =	sld [smem:$0x3FFB];
	_ =	sdelay $0x3  }
0x92: {  	_ =	strace s18  }
0x93: {  	s3 =	sld [smem:$0x3FFC];
	_ =	sdelay $0x3  }
0x94: {  	_ =	strace s3  }
0x95: {  	s3 =	sld [smem:$0x3FFD];
	_ =	sdelay $0x3  }
0x96: {  	_ =	strace s3  }
0x97: {  	_ =	strace $0x8FFFFFFF  }
0x98: {  	s19 =	sld [smem:$0x3FDB];
	_ =	sdelay $0x1  }
0x99: {  	s4 =	simm.s32 $_scs_section_size  }
0x9a: {  	s5 =	simm.s32 $_size__tile_overlayer_lowered;
	s6 =	simm.s32 $_tile_overlayer_lowered  }
0x9b: {  	s22 =	simm.s32 $0x1BFF;
	s21 =	sshll.u32 s6, $0x1;
	s3 =	sadd.s32 s4, s19  }
0x9c: {  	s7 =	simm.s32 $0x0;
	s20 =	sshll.u32 s5, $0x1;
	s5 =	sadd.s32 s21, s3  }
0x9d: {  	[timem:s7], [sflag:s22] =	dma.local [hbm:s5], s20  }
0x9e: {  	_ =	swait.ge [sflag:s22], s20  }
0x9f: {  	s4 =	ssub.s32 $0x0, s20;
	[sflag:s22] =	ssyncset.done $0x0  }
0xa0: {  	[sflag:s22] =	ssyncadd.s32 s4;
	_ =	sdelay $0x1  }
0xa1: {  	s23 =	simm.s32 $0x1B8B  }
0xa2: {  	_ =	swait.ge [sflag:s23], $0x1  }
0xa3: {  	[sflag:s23] =	ssyncset.done $0x0  }
0xa4: {  	s25 =	simm.s32 $0x1B8E;
	s24 =	sld [smem:$0x3FFE];
	[sflag:s23] =	ssyncadd.s32 $0xFFFFFFFF  }
0xa5: {  	s26 =	simm.s32 $execute0_lowered;
	[smem:$0x3FD2] =	sst s25  }
0xa6: {  	s5 =	sshll.u32 s26, $0x1;
	_ =	strace $0x80000046;
	[dreg:$0x1] =	wrdreg $0xFFFFFFFF  }
0xa7: {  	s28 =	simm.s32 $_size_execute0_lowered;
	s3 =	sadd.s32 s3, s5;
	[dreg:$0x0] =	wrdreg $0x0  }
0xa8: {  	s5 =	sshll.u32 s28, $0x1;
	[dreg:$0x2] =	wrdreg s3  }
0xa9: {  	[dreg:$0x3] =	wrdreg s5  }
0xaa: {  	[dreg:$0x4] =	wrdreg $0xC0  }
0xab: {  	_ =	task [dreg:s7], $0x5FFFF  }
0xac: {  	[dreg:$0x1] =	wrdreg $0xFFFFFFFF  }
0xad: {  	[dreg:$0x0] =	wrdreg $0x60  }
0xae: {  	[dreg:$0x2] =	wrdreg s24  }
0xaf: {  	[dreg:$0x3] =	wrdreg s2  }
0xb0: {  	[dreg:$0x4] =	wrdreg $0x30000  }
0xb1: {  	[dreg:$0x5] =	wrdreg $0x9  }
0xb2: {  	_ =	task.clear_ibuf [dreg:s7], $0x6FFFF;
	_ =	strace $0x90000046  }
0xb3: {  	s29 =	simm.s32 $0x9;
	_ =	strace $0x80000048  }
0xb4: {  	_ =	swait.ge [sflag:s29], $0x1  }
0xb5: {  	[sflag:s29] =	ssyncadd.s32 $0xFFFFFFFF  }
0xb6: {  	_ =	strace $0x90000048  }
0xb7: {  	_ =	sfence  }
0xb8: {  	s30 =	sld [smem:$0x0];
	_ =	sdelay $0x2  }
0xb9: {  	s31 =	sshll.u32 s1, $0xD;
	s1 =	sshrl.u32 s1, $0x2  }
0xba: {  	s3 =	sand.u32 $0x4000, s31;
	s1 =	sadd.s32 s1, s30  }
0xbb: {  	s0 =	sor.u32 s3, s0;
	s1 =	sshll.u32 s1, $0x11  }
0xbc: {  	s0 =	sor.u32 s1, s0  }
0xbd: {  	s0 =	sadd.s32 $0x8F2B, s0  }
0xbe: {  	[sflag:s0] =	ssyncadd.remote.s32 $0x1  }
0xbf: {  	_ =	sfence.sel $0xFFFF  }
0xc0: {  	[dreg:$0x0] =	wrdreg $0xFFFFFFFF;
	(pc) =	sbr.abs _section_cstart, $3  }
0xc1: {  	[dreg:$0x1] =	wrdreg $0xFFFFFFFF  }
0xc2: {  	_ =	task.clear_ibuf [dreg:s7], $0x2FFFF;
	_ =	strace $0x9FFFFFFF  }
0xc3: {  	(tm) =	ssettm $0x7FFFFFFF  }
tec
execute0_lowered:
.L_overlay_start_1:
0x0: {  	(tag) =	ssettag $0x1  }
0x1: {  	s5 =	rddreg [dreg:$0x0];
	s1 =	srdreg.scid  }
0x2: {  	s0 =	stileid.u32;
	s7 =	rddreg [dreg:$0x1]  }
0x3: {  	s2 =	rddreg [dreg:$0x2];
	s3 =	simm.s32 $0x0;
	s13 =	simm.s32 $0x80  }
0x4: {  	s14 =	simm.s32 $0x0;
	s4 =	sand.u32 $0x1, s1;
	s1 =	rddreg [dreg:$0x3]  }
0x5: {  	s29 =	sshll.u32 s0, $0x1;
	[smem:$0x7FF] =	sst s3;
	s8 =	smul.u32 $0x2780, s0  }
0x6: {  	s31 =	sshll.u32 s0, $0x6;
	s6 =	sor.u32 s4, s29;
	_ =	strace $0x80000047  }
0x7: {  	s9 =	ssub.s32 $0x2, s4;
	s10 =	smul.u32 $0x27800, s4;
	s4 =	sadd.s32 $0xBC00, s5  }
0x8: {  	s6 =	smul.u32 $0x500, s6;
	s11 =	sshrl.u32 s9, $0x1;
	s12 =	sadd.s32 s8, s2  }
0x9: {  	s9 =	ssub.s32 s9, s11;
	s10 =	sadd.s32 s8, s10;
	s11 =	sor.u32 $0x1C01, s31  }
0xa: {  	s12 =	sshrl.u32 s12, $0x3;
	s6 =	sadd.s32 s6, s5;
	s5 =	sadd.s32 $0xBE00, s5  }
0xb: {  	s30 =	sshrl.u32 s10, $0x3;
	s8 =	smax.u32 s9, $0x1;
	s9 =	simm.s32 $0x1  }
0xc: {  	s10 =	simm.s32 $0x2800;
	s6 =	sadd.s32 $0x1C00, s6;
	s7 =	sadd.s32 s7, s30  }
.LBB2_1:
0xd: {  	[tilespmem:s3], [sflag:$0x1] =	stream.linear.gather [hbm4b:s6+s3], $0x2800, $0x38;
	[tilespmem:$0x5780] =	vst v63  }
0xe: {  	_ =	swait.ge [sflag:s9], $0x2800  }
0xf: {  	[sflag:s9] =	ssyncset.done $0x0  }
0x10: {  	[sflag:s9] =	ssyncadd.s32 $0xFFFFD800  }
0x11: {  	[tilespmem:s10], [sflag:$0x1] =	stream.linear.gather [hbm4b:s4+s3], $0x800, $0x38;
	[tilespmem:$0x5780] =	vst v63  }
0x12: {  	_ =	swait.ge [sflag:s9], $0x800  }
0x13: {  	[sflag:s9] =	ssyncset.done $0x0  }
0x14: {  	[sflag:s9] =	ssyncadd.s32 $0xFFFFF800  }
0x15: {  	[spmem:s12], [sflag:s11] =	dma.local [hbm:s5], $0x4F0  }
0x16: {  	_ =	swait.ge [sflag:s9], $0x4F0  }
0x17: {  	[sflag:s9] =	ssyncset.done $0x0  }
0x18: {  	[sflag:s9] =	ssyncadd.s32 $0xFFFFFB10  }
0x19: {  	s15 =	simm.s32 $0x0;
	[bflag:$0x0] =	sbarrier.arrive $0xFFFF  }
0x1a: {  	[spmem:s2] =	stream.indirect.scatter.add.f32 [tilespmem:s10], [sflag:$0x1], $0x10, s15, s13, $0xb8;
	[tilespmem:$0x5780] =	vst v63  }
0x1b: {  	_ =	swait.ge [sflag:s9], $0x800  }
0x1c: {  	s15 =	simm.s32 $0x200;
	[sflag:s9] =	ssyncset.done $0x0  }
.LBB2_2:
0x1d: {  	s16 =	sshra.s32 s15, $0x2;
	[sflag:s9] =	ssyncadd.s32 $0xFFFFF800;
	p0 =	sne.s32 s15, $0x9E00  }
0x1e: {  	[spmem:s2] =	stream.indirect.scatter.add.f32 [tilespmem:s10], [sflag:$0x1], $0x10, s16, s13, $0xb8;
	[tilespmem:$0x5780] =	vst v63  }
.Ltmp0:
0x1f: {  	_ = 	snop;
	(pc) =	sbr.rel @p0 .LBB2_2-.Ltmp0, $4  }
0x20: {  	_ = 	snop  }
0x21: {  	s15 =	sadd.s32 $0x200, s15  }
0x22: {  	_ =	swait.ge [sflag:s9], $0x800  }
0x23: {  	[sflag:s9] =	ssyncset.done $0x0  }
0x24: {  	s14 =	sadd.s32 $0x1, s14  }
0x25: {  	[sflag:s9] =	ssyncadd.s32 $0xFFFFF800;
	p0 =	sne.s32 s14, s8  }
.Ltmp1:
0x26: {  	[bflag:$0x0] =	sbarrier.arrive $0xFFFF;
	(pc) =	sbr.rel @p0 .LBB2_1-.Ltmp1, $4  }
0x27: {  	[hbm:s7], [sflag:s11] =	dma.local [spmem:s12], $0x4F0  }
0x28: {  	_ =	swait.ge [sflag:s9], $0x4F0  }
0x29: {  	[sflag:s9] =	ssyncset.done $0x0  }
0x2a: {  	[sflag:s9] =	ssyncadd.s32 $0xFFFFFB10  }
0x2b: {  	_ =	sfence.sel $0x180000  }
0x2c: {  	[bflag:$0x0] =	sbarrier.arrive $0xFFFF  }
0x2d: {  	p0 =	sne.s32 s0, $0x0;
	_ =	strace $0x90000047  }
0x2e: {  	s0 =	sadd.s32 @!p0 $0x100000, s1;
	[bflag:$0x2] =	sbarrier.arrive $0xFFFF  }
0x2f: {  	[sflag:s0] =	ssyncadd.tile.s32 @!p0 $0x1;
	_ =	shalt  }
.Lfunc_end2:
_tile_overlayer_lowered:
.L_overlay_start_2:
0x30: {  	(tag) =	ssettag $0x2  }
0x31: {  	s0 =	rddreg [dreg:$0x0];
	s2 =	stileid.u32  }
0x32: {  	s1 =	rddreg [dreg:$0x1];
	p0 =	sne.s32 s2, $0x0  }
0x33: {  	s3 =	rddreg [dreg:$0x2];
	[bflag:$0x3] =	sbarrier.arrive $0xFFFF;
	s2 =	simm.s32 @!p0 $0x1C01  }
0x34: {  	[timem:s3], [sflag:s2] =	dma.local @!p0 [hbm:s0], s1  }
0x35: {  	s0 =	simm.s32 @!p0 $0x1  }
0x36: {  	_ =	swait.ge @!p0 [sflag:s0], s1  }
0x37: {  	s1 =	ssub.s32 @!p0 $0x0, s1;
	[sflag:s0] =	ssyncset.done @!p0 $0x0  }
0x38: {  	[sflag:s0] =	ssyncadd.s32 @!p0 s1  }
0x39: {  	[bflag:$0x3] =	sbarrier.arrive $0xFFFF  }
0x3a: {  	_ =	shalt  }

</sc_bundles>
